<compile_context>
chip_gen: v7x
topology: tpu7x:2x2x1
jax: 0.10.2.dev20260603
libtpu: 0.0.44.dev20260713+nightly
codegen_flags: <defaults>
</compile_context>

<pallas_src>
import functools

import jax
import jax.numpy as jnp
from jax import lax
from jax.experimental import pallas as pl
from jax.experimental.pallas import tpu as pltpu
from jax.experimental.pallas import tpu_sc as plsc

_N = 10000
_E = 320000
_D = 128
_CW = 16

_NC = 2
_NS = 16
_NW = _NC * _NS
_EPW = _E // _NW
_CHUNK = 80
_NCH = _EPW // _CHUNK
_SB = 25
_NB = 3
_STRIPE = 624
_TAIL = _N - _NS * _STRIPE


@functools.lru_cache(maxsize=None)
def _make_sc_agg(with_cnt):
    mesh = plsc.VectorSubcoreMesh(core_axis_name="c", subcore_axis_name="s")

    nb = _NB
    lag = nb - 2

    out_type = [jax.ShapeDtypeStruct((_NC, _N, _D), jnp.float32)]
    scratch = [
        pltpu.VMEM((2, _SB, _CHUNK), jnp.int32),
        pltpu.VMEM((2, _SB, _CHUNK), jnp.int32),
        pltpu.VMEM((nb, _CHUNK, _D), jnp.float32),
        pltpu.VMEM_SHARED((_N, _D), jnp.float32),
        pltpu.SemaphoreType.DMA,
        pltpu.SemaphoreType.DMA,
        pltpu.SemaphoreType.DMA,
    ]
    if with_cnt:
        out_type.append(jax.ShapeDtypeStruct((_NC, _N, _CW), jnp.float32))
        scratch += [
            pltpu.VMEM((_CHUNK, _CW), jnp.float32),
            pltpu.VMEM_SHARED((_N, _CW), jnp.float32),
            pltpu.SemaphoreType.DMA,
        ]

    @functools.partial(
        pl.kernel,
        out_type=tuple(out_type) if with_cnt else out_type[0],
        mesh=mesh,
        scratch_types=scratch,
        compiler_params=pltpu.CompilerParams(use_tc_tiling_on_sc=False),
    )
    def sc_agg(h_hbm, src_hbm, dst_hbm, zero_hbm, *rest):
        if with_cnt:
            (onehot_hbm, zero16_hbm, out_hbm, cnt_hbm,
             src_v, dst_v, rows_v, acc_sh, sem, sem_s, sem_i,
             one_v, cacc_sh, sem_c) = rest
        else:
            (out_hbm, src_v, dst_v, rows_v, acc_sh, sem, sem_s,
             sem_i) = rest

        cid = lax.axis_index("c")
        sid = lax.axis_index("s")
        wid = cid * _NS + sid

        pltpu.sync_copy(zero_hbm.at[pl.ds(sid * _STRIPE, _STRIPE)],
                        acc_sh.at[pl.ds(sid * _STRIPE, _STRIPE)])
        if with_cnt:
            pltpu.sync_copy(zero16_hbm.at[pl.ds(sid * _STRIPE, _STRIPE)],
                            cacc_sh.at[pl.ds(sid * _STRIPE, _STRIPE)])
            pltpu.sync_copy(onehot_hbm, one_v)

        @pl.when(sid == 0)
        def _():
            pltpu.sync_copy(zero_hbm.at[pl.ds(_NS * _STRIPE, _TAIL)],
                            acc_sh.at[pl.ds(_NS * _STRIPE, _TAIL)])
            if with_cnt:
                pltpu.sync_copy(zero16_hbm.at[pl.ds(_NS * _STRIPE, _TAIL)],
                                cacc_sh.at[pl.ds(_NS * _STRIPE, _TAIL)])

        pltpu.sync_copy(src_hbm.at[wid, pl.ds(0, _SB)], src_v.at[0])
        pltpu.sync_copy(dst_hbm.at[wid, pl.ds(0, _SB)], dst_v.at[0])
        for p in range(2):
            pltpu.async_copy(h_hbm.at[src_v.at[0, p]], rows_v.at[p], sem)

        plsc.subcore_barrier()

        def body(i, c):
            r = lax.rem(i, _SB)
            sbuf = lax.rem(lax.div(i, _SB), 2)
            buf = lax.rem(i, nb)

            pltpu.make_async_copy(h_hbm.at[src_v.at[sbuf, r]],
                                  rows_v.at[buf], sem).wait()
            pltpu.async_copy(rows_v.at[buf], acc_sh.at[dst_v.at[sbuf, r]],
                             sem_s, add=True)
            if with_cnt:
                pltpu.async_copy(one_v, cacc_sh.at[dst_v.at[sbuf, r]],
                                 sem_c, add=True)

            @pl.when(i >= lag)
            def _():
                pltpu.make_async_copy(rows_v.at[buf],
                                      acc_sh.at[dst_v.at[sbuf, r]],
                                      sem_s).wait()
                if with_cnt:
                    pltpu.make_async_copy(one_v, cacc_sh.at[dst_v.at[sbuf, r]],
                                          sem_c).wait()

            @pl.when((r == 0) & (i + _SB < _NCH))
            def _():
                nb = 1 - sbuf
                pltpu.async_copy(src_hbm.at[wid, pl.ds(i + _SB, _SB)],
                                 src_v.at[nb], sem_i)
                pltpu.async_copy(dst_hbm.at[wid, pl.ds(i + _SB, _SB)],
                                 dst_v.at[nb], sem_i)

            @pl.when((r == _SB - 2) & (i + 2 < _NCH))
            def _():
                pltpu.make_async_copy(src_hbm.at[wid, pl.ds(0, _SB)],
                                      src_v.at[0], sem_i).wait()
                pltpu.make_async_copy(dst_hbm.at[wid, pl.ds(0, _SB)],
                                      dst_v.at[0], sem_i).wait()

            @pl.when(i + 2 < _NCH)
            def _():
                j = i + 2
                rj = lax.rem(j, _SB)
                sj = lax.rem(lax.div(j, _SB), 2)
                pltpu.async_copy(h_hbm.at[src_v.at[sj, rj]],
                                 rows_v.at[lax.rem(j, nb)], sem)

            return c

        lax.fori_loop(0, _NCH, body, 0)

        for _ in range(lag):
            pltpu.make_async_copy(rows_v.at[0], acc_sh.at[dst_v.at[0, 0]],
                                  sem_s).wait()
        if with_cnt:
            pltpu.make_async_copy(one_v, cacc_sh.at[dst_v.at[0, 0]],
                                  sem_c).wait()

        plsc.subcore_barrier()

        pltpu.sync_copy(acc_sh.at[pl.ds(sid * _STRIPE, _STRIPE)],
                        out_hbm.at[cid, pl.ds(sid * _STRIPE, _STRIPE)])
        if with_cnt:
            pltpu.sync_copy(cacc_sh.at[pl.ds(sid * _STRIPE, _STRIPE)],
                            cnt_hbm.at[cid, pl.ds(sid * _STRIPE, _STRIPE)])

        @pl.when(sid == 0)
        def _():
            pltpu.sync_copy(acc_sh.at[pl.ds(_NS * _STRIPE, _TAIL)],
                            out_hbm.at[cid, pl.ds(_NS * _STRIPE, _TAIL)])
            if with_cnt:
                pltpu.sync_copy(cacc_sh.at[pl.ds(_NS * _STRIPE, _TAIL)],
                                cnt_hbm.at[cid, pl.ds(_NS * _STRIPE, _TAIL)])

    return sc_agg


def _dense1_body(acc_ref, cacc_ref, x_ref, wl_ref, bl_ref, wr_ref, g_ref,
                 be_ref, h_ref, cnt_ref):
    s = acc_ref[0] + acc_ref[1]
    cnt = cacc_ref[0, :, 0:1] + cacc_ref[1, :, 0:1]
    mean = s / jnp.maximum(cnt, 1.0)
    z = (lax.dot_general(mean, wl_ref[...], (((1,), (1,)), ((), ())),
                         preferred_element_type=jnp.float32)
         + lax.dot_general(x_ref[...], wr_ref[...], (((1,), (1,)), ((), ())),
                           preferred_element_type=jnp.float32)
         + bl_ref[...])
    mu = jnp.mean(z, axis=0)
    var = jnp.mean((z - mu) ** 2, axis=0)
    zn = (z - mu) / jnp.sqrt(var + 1e-5) * g_ref[...] + be_ref[...]
    h_ref[...] = jnp.maximum(zn, 0.0)
    cnt_ref[...] = cnt


def _dense2_body(acc_ref, cnt_ref, h_ref, wl_ref, bl_ref, wr_ref, g_ref,
                 be_ref, wc_ref, bc_ref, out_ref):
    s = acc_ref[0] + acc_ref[1]
    mean = s / jnp.maximum(cnt_ref[...], 1.0)
    z = (lax.dot_general(mean, wl_ref[...], (((1,), (1,)), ((), ())),
                         preferred_element_type=jnp.float32)
         + lax.dot_general(h_ref[...], wr_ref[...], (((1,), (1,)), ((), ())),
                           preferred_element_type=jnp.float32)
         + bl_ref[...])
    mu = jnp.mean(z, axis=0)
    var = jnp.mean((z - mu) ** 2, axis=0)
    zn = (z - mu) / jnp.sqrt(var + 1e-5) * g_ref[...] + be_ref[...]
    h2 = jnp.maximum(zn, 0.0)
    logits = (lax.dot_general(h2, wc_ref[...], (((1,), (1,)), ((), ())),
                              preferred_element_type=jnp.float32)
              + bc_ref[...])
    out_ref[...] = logits


def kernel(x, edge_index, W1l, b1l, W1r, g1, be1, W2l, b2l, W2r, g2, be2,
           Wc, bc):
    src = edge_index[0].reshape(_NW, _NCH, _CHUNK)
    dst = edge_index[1].reshape(_NW, _NCH, _CHUNK)

    zero_d = jnp.zeros((_N, _D), jnp.float32)
    zero16 = jnp.zeros((_N, _CW), jnp.float32)
    onehot = jnp.zeros((_CHUNK, _CW), jnp.float32).at[:, 0].set(1.0)

    acc1, cacc = _make_sc_agg(True)(x, src, dst, zero_d, onehot, zero16)

    h1, cnt = pl.pallas_call(
        _dense1_body,
        out_shape=(jax.ShapeDtypeStruct((_N, _D), jnp.float32),
                   jax.ShapeDtypeStruct((_N, 1), jnp.float32)),
    )(acc1, cacc, x, W1l, b1l, W1r, g1, be1)

    acc2 = _make_sc_agg(False)(h1, src, dst, zero_d)

    return pl.pallas_call(
        _dense2_body,
        out_shape=jax.ShapeDtypeStruct((_N, Wc.shape[0]), jnp.float32),
    )(acc2, cnt, h1, W2l, b2l, W2r, g2, be2, Wc, bc)

# --- scband reference (transcript-rebuilt; emitter-appended) ---
"""Pipeline reference for scband-graph-sage-82454782148682 (READ-ONLY COPY).

The authoritative reference and input builder live on the scoring server;
editing this copy changes nothing except your own understanding.
"""

import jax, jax.numpy as jnp
import numpy as np

N = 10000
E = 320000
D_IN = 128
D_H = 128
N_CLS = 2


def _lin_init(key, fan_out, fan_in, bias=True):
    k1, k2 = jax.random.split(key)
    bound = 1.0 / np.sqrt(fan_in)
    W = jax.random.uniform(k1, (fan_out, fan_in), minval=-bound, maxval=bound, dtype=jnp.float32)
    if bias:
        b = jax.random.uniform(k2, (fan_out,), minval=-bound, maxval=bound, dtype=jnp.float32)
        return W, b
    return W, None


def setup_inputs(seed: int = 0) -> dict:
    key = jax.random.key(seed)
    ks = jax.random.split(key, 10)
    x = jax.random.normal(ks[0], (N, D_IN), dtype=jnp.float32)
    edge_index = jax.random.randint(ks[1], (2, E), 0, N, dtype=jnp.int32)
    # SAGEConv layer 1 (PyG semantics: lin_l on aggregated neighbors w/ bias, lin_r on self w/o bias)
    W1l, b1l = _lin_init(ks[2], D_H, D_IN, bias=True)
    W1r, _ = _lin_init(ks[3], D_H, D_IN, bias=False)
    # SAGEConv layer 2
    W2l, b2l = _lin_init(ks[4], D_H, D_H, bias=True)
    W2r, _ = _lin_init(ks[5], D_H, D_H, bias=False)
    # BatchNorm params
    g1 = jnp.ones((D_H,), jnp.float32); be1 = jnp.zeros((D_H,), jnp.float32)
    g2 = jnp.ones((D_H,), jnp.float32); be2 = jnp.zeros((D_H,), jnp.float32)
    # Classifier
    Wc, bc = _lin_init(ks[6], N_CLS, D_H, bias=True)
    return {"x": x, "edge_index": edge_index,
            "W1l": W1l, "b1l": b1l, "W1r": W1r, "g1": g1, "be1": be1,
            "W2l": W2l, "b2l": b2l, "W2r": W2r, "g2": g2, "be2": be2,
            "Wc": Wc, "bc": bc}


def reference(x, edge_index, W1l, b1l, W1r, g1, be1, W2l, b2l, W2r, g2, be2, Wc, bc):
    src = edge_index[0]
    dst = edge_index[1]

    def sage(h, Wl, bl, Wr):
        msg = jnp.take(h, src, axis=0)                      # gather source features [E, d]
        s = jax.ops.segment_sum(msg, dst, num_segments=N)   # scatter-add to dst
        cnt = jax.ops.segment_sum(jnp.ones((E,), jnp.float32), dst, num_segments=N)
        mean = s / jnp.maximum(cnt, 1.0)[:, None]           # mean aggregation
        return mean @ Wl.T + bl + h @ Wr.T

    def bn(h, g, b):
        mu = jnp.mean(h, axis=0)
        var = jnp.var(h, axis=0)
        return (h - mu) / jnp.sqrt(var + 1e-5) * g + b

    h = jax.nn.relu(bn(sage(x, W1l, b1l, W1r), g1, be1))
    # dropout is identity here (deterministic reference)
    h = jax.nn.relu(bn(sage(h, W2l, b2l, W2r), g2, be2))
    logits = h @ Wc.T + bc
    return logits

if __name__ == "__main__":
    import jax
    _d = setup_inputs()
    print(jax.jit(kernel)(*tuple(_d.values())))

</pallas_src>

<mosaic_0001>
#map = affine_map<(d0, d1) -> (0, 0)>
#map1 = affine_map<(d0, d1) -> (0, 0, 0)>
module attributes {stable_mosaic.version = 14 : i64} {
  func.func @sc_agg(%arg0: i32, %arg1: i32, %arg2: memref<10000x128xf32, #tpu.memory_space<hbm>>, %arg3: memref<32x125x80xi32, #tpu.memory_space<hbm>>, %arg4: memref<32x125x80xi32, #tpu.memory_space<hbm>>, %arg5: memref<10000x128xf32, #tpu.memory_space<hbm>>, %arg6: memref<2x10000x128xf32, #tpu.memory_space<hbm>>, %arg7: memref<2x25x80xi32, #tpu.memory_space<vmem>>, %arg8: memref<2x25x80xi32, #tpu.memory_space<vmem>>, %arg9: memref<3x80x128xf32, #tpu.memory_space<vmem>>, %arg10: memref<10000x128xf32, #tpu.memory_space<vmem_shared>>, %arg11: memref<!tpu.dma_semaphore, #tpu.memory_space<semaphore_mem>>, %arg12: memref<!tpu.dma_semaphore, #tpu.memory_space<semaphore_mem>>, %arg13: memref<!tpu.dma_semaphore, #tpu.memory_space<semaphore_mem>>) attributes {dimension_semantics = [#tpu.dimension_semantics<core_parallel>, #tpu.dimension_semantics<subcore_parallel>], iteration_bounds = array<i64: 2, 16>, scalar_prefetch = 0 : i64, scratch_operands = 7 : i64, tpu.core_type = #tpu.core_type<sc_vector_subcore>, window_params = [{transform_indices = #map}, {transform_indices = #map1}, {transform_indices = #map1}, {transform_indices = #map}, {transform_indices = #map1}]} {
    %mul3A = arith.constant 16 : i32
    %mul3A_0 = arith.muli %arg0, %mul3A : i32
    %add3A = arith.addi %mul3A_0, %arg1 : i32
    %mul3A_1 = arith.constant 624 : i32
    %mul3A_2 = arith.muli %arg1, %mul3A_1 : i32
    %mul3A_3 = arith.constant 624 : i32
    %mul3A_4 = arith.muli %arg1, %mul3A_3 : i32
    "tpu.region"() ({
      %run_scoped3A_60 = tpu.sem_alloc : memref<!tpu.dma_semaphore, #tpu.memory_space<semaphore_mem>>
      %dma_start3A_61 = arith.constant 0 : i32
      %dma_start3A_62 = tpu.memref_slice %arg10[%mul3A_4, %dma_start3A_61] : memref<10000x128xf32, #tpu.memory_space<vmem_shared>> -> memref<624x128xf32, #tpu.memory_space<vmem_shared>>
      %dma_start3A_63 = arith.constant 0 : i32
      %dma_start3A_64 = tpu.memref_slice %arg5[%mul3A_2, %dma_start3A_63] : memref<10000x128xf32, #tpu.memory_space<hbm>> -> memref<624x128xf32, #tpu.memory_space<hbm>>
      tpu.enqueue_dma source(%dma_start3A_64 : memref<624x128xf32, #tpu.memory_space<hbm>>) target(%dma_start3A_62 : memref<624x128xf32, #tpu.memory_space<vmem_shared>>) target_semaphore(%run_scoped3A_60 : memref<!tpu.dma_semaphore, #tpu.memory_space<semaphore_mem>>)
      %dma_wait3A_65 = arith.constant 0 : i32
      %dma_wait3A_66 = tpu.memref_slice %arg10[%mul3A_4, %dma_wait3A_65] : memref<10000x128xf32, #tpu.memory_space<vmem_shared>> -> memref<624x128xf32, #tpu.memory_space<vmem_shared>>
      %dma_wait3A_67 = arith.constant 0 : i32
      %dma_wait3A_68 = tpu.memref_slice %arg5[%mul3A_2, %dma_wait3A_67] : memref<10000x128xf32, #tpu.memory_space<hbm>> -> memref<624x128xf32, #tpu.memory_space<hbm>>
      tpu.wait_dma2 semaphore(%run_scoped3A_60 : memref<!tpu.dma_semaphore, #tpu.memory_space<semaphore_mem>>) src(%dma_wait3A_68 : memref<624x128xf32, #tpu.memory_space<hbm>>) dst(%dma_wait3A_66 : memref<624x128xf32, #tpu.memory_space<vmem_shared>>)
      tpu.yield
    }) : () -> ()
    %eq3A = arith.constant 0 : i32
    %eq3A_5 = arith.cmpi eq, %arg1, %eq3A : i32
    %convert_element_type3A = arith.extui %eq3A_5 : i1 to i32
    %cond3A = arith.constant 0 : i32
    %cond3A_6 = arith.cmpi ne, %convert_element_type3A, %cond3A : i32
    scf.if %cond3A_6 {
      "tpu.region"() ({
        %run_scoped3A_60 = tpu.sem_alloc : memref<!tpu.dma_semaphore, #tpu.memory_space<semaphore_mem>>
        %dma_start3A_61 = arith.constant 9984 : i32
        %dma_start3A_62 = arith.constant 0 : i32
        %dma_start3A_63 = tpu.memref_slice %arg10[%dma_start3A_61, %dma_start3A_62] : memref<10000x128xf32, #tpu.memory_space<vmem_shared>> -> memref<16x128xf32, #tpu.memory_space<vmem_shared>>
        %dma_start3A_64 = arith.constant 9984 : i32
        %dma_start3A_65 = arith.constant 0 : i32
        %dma_start3A_66 = tpu.memref_slice %arg5[%dma_start3A_64, %dma_start3A_65] : memref<10000x128xf32, #tpu.memory_space<hbm>> -> memref<16x128xf32, #tpu.memory_space<hbm>>
        tpu.enqueue_dma source(%dma_start3A_66 : memref<16x128xf32, #tpu.memory_space<hbm>>) target(%dma_start3A_63 : memref<16x128xf32, #tpu.memory_space<vmem_shared>>) target_semaphore(%run_scoped3A_60 : memref<!tpu.dma_semaphore, #tpu.memory_space<semaphore_mem>>)
        %dma_wait3A_67 = arith.constant 9984 : i32
        %dma_wait3A_68 = arith.constant 0 : i32
        %dma_wait3A_69 = tpu.memref_slice %arg10[%dma_wait3A_67, %dma_wait3A_68] : memref<10000x128xf32, #tpu.memory_space<vmem_shared>> -> memref<16x128xf32, #tpu.memory_space<vmem_shared>>
        %dma_wait3A_70 = arith.constant 9984 : i32
        %dma_wait3A_71 = arith.constant 0 : i32
        %dma_wait3A_72 = tpu.memref_slice %arg5[%dma_wait3A_70, %dma_wait3A_71] : memref<10000x128xf32, #tpu.memory_space<hbm>> -> memref<16x128xf32, #tpu.memory_space<hbm>>
        tpu.wait_dma2 semaphore(%run_scoped3A_60 : memref<!tpu.dma_semaphore, #tpu.memory_space<semaphore_mem>>) src(%dma_wait3A_72 : memref<16x128xf32, #tpu.memory_space<hbm>>) dst(%dma_wait3A_69 : memref<16x128xf32, #tpu.memory_space<vmem_shared>>)
        tpu.yield
      }) : () -> ()
    } else {
    }
    %run_scoped3A = arith.constant 0 : i32
    "tpu.region"() ({
      %run_scoped3A_60 = tpu.sem_alloc : memref<!tpu.dma_semaphore, #tpu.memory_space<semaphore_mem>>
      %dma_start3A_61 = arith.constant 0 : i32
      %dma_start3A_62 = arith.constant 0 : i32
      %dma_start3A_63 = tpu.memref_slice %arg7[%run_scoped3A, %dma_start3A_61, %dma_start3A_62] : memref<2x25x80xi32, #tpu.memory_space<vmem>> -> memref<1x25x80xi32, #tpu.memory_space<vmem>>
      %dma_start3A_64 = tpu.memref_squeeze %dma_start3A_63 : memref<1x25x80xi32, #tpu.memory_space<vmem>> -> memref<25x80xi32, #tpu.memory_space<vmem>>
      %dma_start3A_65 = arith.constant 0 : i32
      %dma_start3A_66 = arith.constant 0 : i32
      %dma_start3A_67 = tpu.memref_slice %arg3[%add3A, %dma_start3A_65, %dma_start3A_66] : memref<32x125x80xi32, #tpu.memory_space<hbm>> -> memref<1x25x80xi32, #tpu.memory_space<hbm>>
      %dma_start3A_68 = tpu.memref_squeeze %dma_start3A_67 : memref<1x25x80xi32, #tpu.memory_space<hbm>> -> memref<25x80xi32, #tpu.memory_space<hbm>>
      %dma_start3A_69 = arith.constant 0 : i32
      %dma_start3A_70 = arith.constant 0 : i32
      %dma_start3A_71 = tpu.memref_slice %arg7[%run_scoped3A, %dma_start3A_69, %dma_start3A_70] : memref<2x25x80xi32, #tpu.memory_space<vmem>> -> memref<1x25x80xi32, #tpu.memory_space<vmem>>
      %dma_start3A_72 = tpu.memref_squeeze %dma_start3A_71 : memref<1x25x80xi32, #tpu.memory_space<vmem>> -> memref<25x80xi32, #tpu.memory_space<vmem>>
      %dma_start3A_73 = arith.constant 0 : i32
      %dma_start3A_74 = arith.constant 0 : i32
      %dma_start3A_75 = tpu.memref_slice %arg3[%add3A, %dma_start3A_73, %dma_start3A_74] : memref<32x125x80xi32, #tpu.memory_space<hbm>> -> memref<1x25x80xi32, #tpu.memory_space<hbm>>
      %dma_start3A_76 = tpu.memref_squeeze %dma_start3A_75 : memref<1x25x80xi32, #tpu.memory_space<hbm>> -> memref<25x80xi32, #tpu.memory_space<hbm>>
      tpu.enqueue_dma source(%dma_start3A_76 : memref<25x80xi32, #tpu.memory_space<hbm>>) target(%dma_start3A_72 : memref<25x80xi32, #tpu.memory_space<vmem>>) target_semaphore(%run_scoped3A_60 : memref<!tpu.dma_semaphore, #tpu.memory_space<semaphore_mem>>)
      %dma_wait3A_77 = arith.constant 0 : i32
      %dma_wait3A_78 = arith.constant 0 : i32
      %dma_wait3A_79 = tpu.memref_slice %arg7[%run_scoped3A, %dma_wait3A_77, %dma_wait3A_78] : memref<2x25x80xi32, #tpu.memory_space<vmem>> -> memref<1x25x80xi32, #tpu.memory_space<vmem>>
      %dma_wait3A_80 = tpu.memref_squeeze %dma_wait3A_79 : memref<1x25x80xi32, #tpu.memory_space<vmem>> -> memref<25x80xi32, #tpu.memory_space<vmem>>
      %dma_wait3A_81 = arith.constant 0 : i32
      %dma_wait3A_82 = arith.constant 0 : i32
      %dma_wait3A_83 = tpu.memref_slice %arg3[%add3A, %dma_wait3A_81, %dma_wait3A_82] : memref<32x125x80xi32, #tpu.memory_space<hbm>> -> memref<1x25x80xi32, #tpu.memory_space<hbm>>
      %dma_wait3A_84 = tpu.memref_squeeze %dma_wait3A_83 : memref<1x25x80xi32, #tpu.memory_space<hbm>> -> memref<25x80xi32, #tpu.memory_space<hbm>>
      %dma_wait3A_85 = arith.constant 0 : i32
      %dma_wait3A_86 = arith.constant 0 : i32
      %dma_wait3A_87 = tpu.memref_slice %arg7[%run_scoped3A, %dma_wait3A_85, %dma_wait3A_86] : memref<2x25x80xi32, #tpu.memory_space<vmem>> -> memref<1x25x80xi32, #tpu.memory_space<vmem>>
      %dma_wait3A_88 = tpu.memref_squeeze %dma_wait3A_87 : memref<1x25x80xi32, #tpu.memory_space<vmem>> -> memref<25x80xi32, #tpu.memory_space<vmem>>
      %dma_wait3A_89 = arith.constant 0 : i32
      %dma_wait3A_90 = arith.constant 0 : i32
      %dma_wait3A_91 = tpu.memref_slice %arg3[%add3A, %dma_wait3A_89, %dma_wait3A_90] : memref<32x125x80xi32, #tpu.memory_space<hbm>> -> memref<1x25x80xi32, #tpu.memory_space<hbm>>
      %dma_wait3A_92 = tpu.memref_squeeze %dma_wait3A_91 : memref<1x25x80xi32, #tpu.memory_space<hbm>> -> memref<25x80xi32, #tpu.memory_space<hbm>>
      tpu.wait_dma2 semaphore(%run_scoped3A_60 : memref<!tpu.dma_semaphore, #tpu.memory_space<semaphore_mem>>) src(%dma_wait3A_92 : memref<25x80xi32, #tpu.memory_space<hbm>>) dst(%dma_wait3A_88 : memref<25x80xi32, #tpu.memory_space<vmem>>)
      tpu.yield
    }) : () -> ()
    %run_scoped3A_7 = arith.constant 0 : i32
    "tpu.region"() ({
      %run_scoped3A_60 = tpu.sem_alloc : memref<!tpu.dma_semaphore, #tpu.memory_space<semaphore_mem>>
      %dma_start3A_61 = arith.constant 0 : i32
      %dma_start3A_62 = arith.constant 0 : i32
      %dma_start3A_63 = tpu.memref_slice %arg8[%run_scoped3A_7, %dma_start3A_61, %dma_start3A_62] : memref<2x25x80xi32, #tpu.memory_space<vmem>> -> memref<1x25x80xi32, #tpu.memory_space<vmem>>
      %dma_start3A_64 = tpu.memref_squeeze %dma_start3A_63 : memref<1x25x80xi32, #tpu.memory_space<vmem>> -> memref<25x80xi32, #tpu.memory_space<vmem>>
      %dma_start3A_65 = arith.constant 0 : i32
      %dma_start3A_66 = arith.constant 0 : i32
      %dma_start3A_67 = tpu.memref_slice %arg4[%add3A, %dma_start3A_65, %dma_start3A_66] : memref<32x125x80xi32, #tpu.memory_space<hbm>> -> memref<1x25x80xi32, #tpu.memory_space<hbm>>
      %dma_start3A_68 = tpu.memref_squeeze %dma_start3A_67 : memref<1x25x80xi32, #tpu.memory_space<hbm>> -> memref<25x80xi32, #tpu.memory_space<hbm>>
      %dma_start3A_69 = arith.constant 0 : i32
      %dma_start3A_70 = arith.constant 0 : i32
      %dma_start3A_71 = tpu.memref_slice %arg8[%run_scoped3A_7, %dma_start3A_69, %dma_start3A_70] : memref<2x25x80xi32, #tpu.memory_space<vmem>> -> memref<1x25x80xi32, #tpu.memory_space<vmem>>
      %dma_start3A_72 = tpu.memref_squeeze %dma_start3A_71 : memref<1x25x80xi32, #tpu.memory_space<vmem>> -> memref<25x80xi32, #tpu.memory_space<vmem>>
      %dma_start3A_73 = arith.constant 0 : i32
      %dma_start3A_74 = arith.constant 0 : i32
      %dma_start3A_75 = tpu.memref_slice %arg4[%add3A, %dma_start3A_73, %dma_start3A_74] : memref<32x125x80xi32, #tpu.memory_space<hbm>> -> memref<1x25x80xi32, #tpu.memory_space<hbm>>
      %dma_start3A_76 = tpu.memref_squeeze %dma_start3A_75 : memref<1x25x80xi32, #tpu.memory_space<hbm>> -> memref<25x80xi32, #tpu.memory_space<hbm>>
      tpu.enqueue_dma source(%dma_start3A_76 : memref<25x80xi32, #tpu.memory_space<hbm>>) target(%dma_start3A_72 : memref<25x80xi32, #tpu.memory_space<vmem>>) target_semaphore(%run_scoped3A_60 : memref<!tpu.dma_semaphore, #tpu.memory_space<semaphore_mem>>)
      %dma_wait3A_77 = arith.constant 0 : i32
      %dma_wait3A_78 = arith.constant 0 : i32
      %dma_wait3A_79 = tpu.memref_slice %arg8[%run_scoped3A_7, %dma_wait3A_77, %dma_wait3A_78] : memref<2x25x80xi32, #tpu.memory_space<vmem>> -> memref<1x25x80xi32, #tpu.memory_space<vmem>>
      %dma_wait3A_80 = tpu.memref_squeeze %dma_wait3A_79 : memref<1x25x80xi32, #tpu.memory_space<vmem>> -> memref<25x80xi32, #tpu.memory_space<vmem>>
      %dma_wait3A_81 = arith.constant 0 : i32
      %dma_wait3A_82 = arith.constant 0 : i32
      %dma_wait3A_83 = tpu.memref_slice %arg4[%add3A, %dma_wait3A_81, %dma_wait3A_82] : memref<32x125x80xi32, #tpu.memory_space<hbm>> -> memref<1x25x80xi32, #tpu.memory_space<hbm>>
      %dma_wait3A_84 = tpu.memref_squeeze %dma_wait3A_83 : memref<1x25x80xi32, #tpu.memory_space<hbm>> -> memref<25x80xi32, #tpu.memory_space<hbm>>
      %dma_wait3A_85 = arith.constant 0 : i32
      %dma_wait3A_86 = arith.constant 0 : i32
      %dma_wait3A_87 = tpu.memref_slice %arg8[%run_scoped3A_7, %dma_wait3A_85, %dma_wait3A_86] : memref<2x25x80xi32, #tpu.memory_space<vmem>> -> memref<1x25x80xi32, #tpu.memory_space<vmem>>
      %dma_wait3A_88 = tpu.memref_squeeze %dma_wait3A_87 : memref<1x25x80xi32, #tpu.memory_space<vmem>> -> memref<25x80xi32, #tpu.memory_space<vmem>>
      %dma_wait3A_89 = arith.constant 0 : i32
      %dma_wait3A_90 = arith.constant 0 : i32
      %dma_wait3A_91 = tpu.memref_slice %arg4[%add3A, %dma_wait3A_89, %dma_wait3A_90] : memref<32x125x80xi32, #tpu.memory_space<hbm>> -> memref<1x25x80xi32, #tpu.memory_space<hbm>>
      %dma_wait3A_92 = tpu.memref_squeeze %dma_wait3A_91 : memref<1x25x80xi32, #tpu.memory_space<hbm>> -> memref<25x80xi32, #tpu.memory_space<hbm>>
      tpu.wait_dma2 semaphore(%run_scoped3A_60 : memref<!tpu.dma_semaphore, #tpu.memory_space<semaphore_mem>>) src(%dma_wait3A_92 : memref<25x80xi32, #tpu.memory_space<hbm>>) dst(%dma_wait3A_88 : memref<25x80xi32, #tpu.memory_space<vmem>>)
      tpu.yield
    }) : () -> ()
    %dma_start3A = arith.constant 0 : i32
    %dma_start3A_8 = arith.constant 0 : i32
    %dma_start3A_9 = arith.constant 0 : i32
    %dma_start3A_10 = arith.constant 0 : i32
    %dma_start3A_11 = arith.constant 0 : i32
    %dma_start3A_12 = tpu.memref_slice %arg9[%dma_start3A_9, %dma_start3A_10, %dma_start3A_11] : memref<3x80x128xf32, #tpu.memory_space<vmem>> -> memref<1x80x128xf32, #tpu.memory_space<vmem>>
    %dma_start3A_13 = tpu.memref_squeeze %dma_start3A_12 : memref<1x80x128xf32, #tpu.memory_space<vmem>> -> memref<80x128xf32, #tpu.memory_space<vmem>>
    %dma_start3A_14 = arith.constant 0 : i32
    %dma_start3A_15 = tpu.memref_slice %arg7[%dma_start3A, %dma_start3A_8, %dma_start3A_14] : memref<2x25x80xi32, #tpu.memory_space<vmem>> -> memref<1x1x80xi32, #tpu.memory_space<vmem>>
    %dma_start3A_16 = tpu.memref_squeeze %dma_start3A_15 : memref<1x1x80xi32, #tpu.memory_space<vmem>> -> memref<80xi32, #tpu.memory_space<vmem>>
    %dma_start3A_17 = arith.constant 0 : i32
    %dma_start3A_18 = arith.constant 0 : i32
    %dma_start3A_19 = tpu.memref_slice %arg2[%dma_start3A_17, %dma_start3A_18] : memref<10000x128xf32, #tpu.memory_space<hbm>> -> memref<10000x128xf32, #tpu.memory_space<hbm>>
    tpu.enqueue_indirect_dma source(%dma_start3A_19 : memref<10000x128xf32, #tpu.memory_space<hbm>>) target(%dma_start3A_13 : memref<80x128xf32, #tpu.memory_space<vmem>>) offsets(%dma_start3A_16 : memref<80xi32, #tpu.memory_space<vmem>>) semaphore(%arg11 : memref<!tpu.dma_semaphore, #tpu.memory_space<semaphore_mem>>)
    %dma_start3A_20 = arith.constant 0 : i32
    %dma_start3A_21 = arith.constant 1 : i32
    %dma_start3A_22 = arith.constant 1 : i32
    %dma_start3A_23 = arith.constant 0 : i32
    %dma_start3A_24 = arith.constant 0 : i32
    %dma_start3A_25 = tpu.memref_slice %arg9[%dma_start3A_22, %dma_start3A_23, %dma_start3A_24] : memref<3x80x128xf32, #tpu.memory_space<vmem>> -> memref<1x80x128xf32, #tpu.memory_space<vmem>>
    %dma_start3A_26 = tpu.memref_squeeze %dma_start3A_25 : memref<1x80x128xf32, #tpu.memory_space<vmem>> -> memref<80x128xf32, #tpu.memory_space<vmem>>
    %dma_start3A_27 = arith.constant 0 : i32
    %dma_start3A_28 = tpu.memref_slice %arg7[%dma_start3A_20, %dma_start3A_21, %dma_start3A_27] : memref<2x25x80xi32, #tpu.memory_space<vmem>> -> memref<1x1x80xi32, #tpu.memory_space<vmem>>
    %dma_start3A_29 = tpu.memref_squeeze %dma_start3A_28 : memref<1x1x80xi32, #tpu.memory_space<vmem>> -> memref<80xi32, #tpu.memory_space<vmem>>
    %dma_start3A_30 = arith.constant 0 : i32
    %dma_start3A_31 = arith.constant 0 : i32
    %dma_start3A_32 = tpu.memref_slice %arg2[%dma_start3A_30, %dma_start3A_31] : memref<10000x128xf32, #tpu.memory_space<hbm>> -> memref<10000x128xf32, #tpu.memory_space<hbm>>
    tpu.enqueue_indirect_dma source(%dma_start3A_32 : memref<10000x128xf32, #tpu.memory_space<hbm>>) target(%dma_start3A_26 : memref<80x128xf32, #tpu.memory_space<vmem>>) offsets(%dma_start3A_29 : memref<80xi32, #tpu.memory_space<vmem>>) semaphore(%arg11 : memref<!tpu.dma_semaphore, #tpu.memory_space<semaphore_mem>>)
    %barrier3A = arith.constant 0 : index
    tpu.barrier barrier_id(%barrier3A)
    %scan3A = arith.constant 0 : i32
    %scan3A_33 = arith.constant 0 : i32
    %scan3A_34 = arith.constant 125 : i32
    %scan3A_35 = arith.addi %scan3A_33, %scan3A_34 : i32
    %scan3A_36 = arith.constant 1 : i32
    scf.for %scan3A_60 = %scan3A_33 to %scan3A_35 step %scan3A_36  : i32 {
      %rem3A = arith.constant 25 : i32
      %rem3A_61 = arith.remsi %scan3A_60, %rem3A : i32
      %div3A = arith.constant 25 : i32
      %div3A_62 = arith.divsi %scan3A_60, %div3A : i32
      %rem3A_63 = arith.constant 2 : i32
      %rem3A_64 = arith.remsi %div3A_62, %rem3A_63 : i32
      %rem3A_65 = arith.constant 3 : i32
      %rem3A_66 = arith.remsi %scan3A_60, %rem3A_65 : i32
      %dma_wait3A_67 = arith.constant 0 : i32
      %dma_wait3A_68 = arith.constant 0 : i32
      %dma_wait3A_69 = tpu.memref_slice %arg9[%rem3A_66, %dma_wait3A_67, %dma_wait3A_68] : memref<3x80x128xf32, #tpu.memory_space<vmem>> -> memref<1x80x128xf32, #tpu.memory_space<vmem>>
      %dma_wait3A_70 = tpu.memref_squeeze %dma_wait3A_69 : memref<1x80x128xf32, #tpu.memory_space<vmem>> -> memref<80x128xf32, #tpu.memory_space<vmem>>
      %dma_wait3A_71 = arith.constant 0 : i32
      %dma_wait3A_72 = tpu.memref_slice %arg7[%rem3A_64, %rem3A_61, %dma_wait3A_71] : memref<2x25x80xi32, #tpu.memory_space<vmem>> -> memref<1x1x80xi32, #tpu.memory_space<vmem>>
      %dma_wait3A_73 = tpu.memref_squeeze %dma_wait3A_72 : memref<1x1x80xi32, #tpu.memory_space<vmem>> -> memref<80xi32, #tpu.memory_space<vmem>>
      %dma_wait3A_74 = arith.constant 0 : i32
      %dma_wait3A_75 = arith.constant 0 : i32
      %dma_wait3A_76 = tpu.memref_slice %arg2[%dma_wait3A_74, %dma_wait3A_75] : memref<10000x128xf32, #tpu.memory_space<hbm>> -> memref<10000x128xf32, #tpu.memory_space<hbm>>
      tpu.wait_indirect_dma semaphore(%arg11 : memref<!tpu.dma_semaphore, #tpu.memory_space<semaphore_mem>>) src(%dma_wait3A_76 : memref<10000x128xf32, #tpu.memory_space<hbm>>) dst(%dma_wait3A_70 : memref<80x128xf32, #tpu.memory_space<vmem>>)
      %dma_start3A_77 = arith.constant 0 : i32
      %dma_start3A_78 = arith.constant 0 : i32
      %dma_start3A_79 = tpu.memref_slice %arg9[%rem3A_66, %dma_start3A_77, %dma_start3A_78] : memref<3x80x128xf32, #tpu.memory_space<vmem>> -> memref<1x80x128xf32, #tpu.memory_space<vmem>>
      %dma_start3A_80 = tpu.memref_squeeze %dma_start3A_79 : memref<1x80x128xf32, #tpu.memory_space<vmem>> -> memref<80x128xf32, #tpu.memory_space<vmem>>
      %dma_start3A_81 = arith.constant 0 : i32
      %dma_start3A_82 = tpu.memref_slice %arg8[%rem3A_64, %rem3A_61, %dma_start3A_81] : memref<2x25x80xi32, #tpu.memory_space<vmem>> -> memref<1x1x80xi32, #tpu.memory_space<vmem>>
      %dma_start3A_83 = tpu.memref_squeeze %dma_start3A_82 : memref<1x1x80xi32, #tpu.memory_space<vmem>> -> memref<80xi32, #tpu.memory_space<vmem>>
      %dma_start3A_84 = arith.constant 0 : i32
      %dma_start3A_85 = arith.constant 0 : i32
      %dma_start3A_86 = tpu.memref_slice %arg10[%dma_start3A_84, %dma_start3A_85] : memref<10000x128xf32, #tpu.memory_space<vmem_shared>> -> memref<10000x128xf32, #tpu.memory_space<vmem_shared>>
      tpu.enqueue_indirect_dma source(%dma_start3A_80 : memref<80x128xf32, #tpu.memory_space<vmem>>) target(%dma_start3A_86 : memref<10000x128xf32, #tpu.memory_space<vmem_shared>>) offsets(%dma_start3A_83 : memref<80xi32, #tpu.memory_space<vmem>>) semaphore(%arg12 : memref<!tpu.dma_semaphore, #tpu.memory_space<semaphore_mem>>) {add = true}
      %ge3A = arith.constant 1 : i32
      %ge3A_87 = arith.cmpi sge, %scan3A_60, %ge3A : i32
      %convert_element_type3A_88 = arith.extui %ge3A_87 : i1 to i32
      %cond3A_89 = arith.constant 0 : i32
      %cond3A_90 = arith.cmpi ne, %convert_element_type3A_88, %cond3A_89 : i32
      scf.if %cond3A_90 {
        %dma_wait3A_116 = arith.constant 0 : i32
        %dma_wait3A_117 = arith.constant 0 : i32
        %dma_wait3A_118 = tpu.memref_slice %arg9[%rem3A_66, %dma_wait3A_116, %dma_wait3A_117] : memref<3x80x128xf32, #tpu.memory_space<vmem>> -> memref<1x80x128xf32, #tpu.memory_space<vmem>>
        %dma_wait3A_119 = tpu.memref_squeeze %dma_wait3A_118 : memref<1x80x128xf32, #tpu.memory_space<vmem>> -> memref<80x128xf32, #tpu.memory_space<vmem>>
        %dma_wait3A_120 = arith.constant 0 : i32
        %dma_wait3A_121 = tpu.memref_slice %arg8[%rem3A_64, %rem3A_61, %dma_wait3A_120] : memref<2x25x80xi32, #tpu.memory_space<vmem>> -> memref<1x1x80xi32, #tpu.memory_space<vmem>>
        %dma_wait3A_122 = tpu.memref_squeeze %dma_wait3A_121 : memref<1x1x80xi32, #tpu.memory_space<vmem>> -> memref<80xi32, #tpu.memory_space<vmem>>
        %dma_wait3A_123 = arith.constant 0 : i32
        %dma_wait3A_124 = arith.constant 0 : i32
        %dma_wait3A_125 = tpu.memref_slice %arg10[%dma_wait3A_123, %dma_wait3A_124] : memref<10000x128xf32, #tpu.memory_space<vmem_shared>> -> memref<10000x128xf32, #tpu.memory_space<vmem_shared>>
        tpu.wait_indirect_dma semaphore(%arg12 : memref<!tpu.dma_semaphore, #tpu.memory_space<semaphore_mem>>) src(%dma_wait3A_119 : memref<80x128xf32, #tpu.memory_space<vmem>>) dst(%dma_wait3A_125 : memref<10000x128xf32, #tpu.memory_space<vmem_shared>>)
      } else {
      }
      %eq3A_91 = arith.constant 0 : i32
      %eq3A_92 = arith.cmpi eq, %rem3A_61, %eq3A_91 : i32
      %add3A_93 = arith.constant 25 : i32
      %add3A_94 = arith.addi %scan3A_60, %add3A_93 : i32
      %lt3A = arith.constant 125 : i32
      %lt3A_95 = arith.cmpi slt, %add3A_94, %lt3A : i32
      %and3A = arith.andi %eq3A_92, %lt3A_95 : i1
      %convert_element_type3A_96 = arith.extui %and3A : i1 to i32
      %cond3A_97 = arith.constant 0 : i32
      %cond3A_98 = arith.cmpi ne, %convert_element_type3A_96, %cond3A_97 : i32
      scf.if %cond3A_98 {
        %sub3A = arith.constant 1 : i32
        %sub3A_116 = arith.subi %sub3A, %rem3A_64 : i32
        %add3A_117 = arith.constant 25 : i32
        %add3A_118 = arith.addi %scan3A_60, %add3A_117 : i32
        %dma_start3A_119 = arith.constant 0 : i32
        %dma_start3A_120 = arith.constant 0 : i32
        %dma_start3A_121 = tpu.memref_slice %arg7[%sub3A_116, %dma_start3A_119, %dma_start3A_120] : memref<2x25x80xi32, #tpu.memory_space<vmem>> -> memref<1x25x80xi32, #tpu.memory_space<vmem>>
        %dma_start3A_122 = tpu.memref_squeeze %dma_start3A_121 : memref<1x25x80xi32, #tpu.memory_space<vmem>> -> memref<25x80xi32, #tpu.memory_space<vmem>>
        %dma_start3A_123 = arith.constant 0 : i32
        %dma_start3A_124 = tpu.memref_slice %arg3[%add3A, %add3A_118, %dma_start3A_123] : memref<32x125x80xi32, #tpu.memory_space<hbm>> -> memref<1x25x80xi32, #tpu.memory_space<hbm>>
        %dma_start3A_125 = tpu.memref_squeeze %dma_start3A_124 : memref<1x25x80xi32, #tpu.memory_space<hbm>> -> memref<25x80xi32, #tpu.memory_space<hbm>>
        %dma_start3A_126 = arith.constant 0 : i32
        %dma_start3A_127 = arith.constant 0 : i32
        %dma_start3A_128 = tpu.memref_slice %arg7[%sub3A_116, %dma_start3A_126, %dma_start3A_127] : memref<2x25x80xi32, #tpu.memory_space<vmem>> -> memref<1x25x80xi32, #tpu.memory_space<vmem>>
        %dma_start3A_129 = tpu.memref_squeeze %dma_start3A_128 : memref<1x25x80xi32, #tpu.memory_space<vmem>> -> memref<25x80xi32, #tpu.memory_space<vmem>>
        %dma_start3A_130 = arith.constant 0 : i32
        %dma_start3A_131 = tpu.memref_slice %arg3[%add3A, %add3A_118, %dma_start3A_130] : memref<32x125x80xi32, #tpu.memory_space<hbm>> -> memref<1x25x80xi32, #tpu.memory_space<hbm>>
        %dma_start3A_132 = tpu.memref_squeeze %dma_start3A_131 : memref<1x25x80xi32, #tpu.memory_space<hbm>> -> memref<25x80xi32, #tpu.memory_space<hbm>>
        tpu.enqueue_dma source(%dma_start3A_132 : memref<25x80xi32, #tpu.memory_space<hbm>>) target(%dma_start3A_129 : memref<25x80xi32, #tpu.memory_space<vmem>>) target_semaphore(%arg13 : memref<!tpu.dma_semaphore, #tpu.memory_space<semaphore_mem>>)
        %add3A_133 = arith.constant 25 : i32
        %add3A_134 = arith.addi %scan3A_60, %add3A_133 : i32
        %dma_start3A_135 = arith.constant 0 : i32
        %dma_start3A_136 = arith.constant 0 : i32
        %dma_start3A_137 = tpu.memref_slice %arg8[%sub3A_116, %dma_start3A_135, %dma_start3A_136] : memref<2x25x80xi32, #tpu.memory_space<vmem>> -> memref<1x25x80xi32, #tpu.memory_space<vmem>>
        %dma_start3A_138 = tpu.memref_squeeze %dma_start3A_137 : memref<1x25x80xi32, #tpu.memory_space<vmem>> -> memref<25x80xi32, #tpu.memory_space<vmem>>
        %dma_start3A_139 = arith.constant 0 : i32
        %dma_start3A_140 = tpu.memref_slice %arg4[%add3A, %add3A_134, %dma_start3A_139] : memref<32x125x80xi32, #tpu.memory_space<hbm>> -> memref<1x25x80xi32, #tpu.memory_space<hbm>>
        %dma_start3A_141 = tpu.memref_squeeze %dma_start3A_140 : memref<1x25x80xi32, #tpu.memory_space<hbm>> -> memref<25x80xi32, #tpu.memory_space<hbm>>
        %dma_start3A_142 = arith.constant 0 : i32
        %dma_start3A_143 = arith.constant 0 : i32
        %dma_start3A_144 = tpu.memref_slice %arg8[%sub3A_116, %dma_start3A_142, %dma_start3A_143] : memref<2x25x80xi32, #tpu.memory_space<vmem>> -> memref<1x25x80xi32, #tpu.memory_space<vmem>>
        %dma_start3A_145 = tpu.memref_squeeze %dma_start3A_144 : memref<1x25x80xi32, #tpu.memory_space<vmem>> -> memref<25x80xi32, #tpu.memory_space<vmem>>
        %dma_start3A_146 = arith.constant 0 : i32
        %dma_start3A_147 = tpu.memref_slice %arg4[%add3A, %add3A_134, %dma_start3A_146] : memref<32x125x80xi32, #tpu.memory_space<hbm>> -> memref<1x25x80xi32, #tpu.memory_space<hbm>>
        %dma_start3A_148 = tpu.memref_squeeze %dma_start3A_147 : memref<1x25x80xi32, #tpu.memory_space<hbm>> -> memref<25x80xi32, #tpu.memory_space<hbm>>
        tpu.enqueue_dma source(%dma_start3A_148 : memref<25x80xi32, #tpu.memory_space<hbm>>) target(%dma_start3A_145 : memref<25x80xi32, #tpu.memory_space<vmem>>) target_semaphore(%arg13 : memref<!tpu.dma_semaphore, #tpu.memory_space<semaphore_mem>>)
      } else {
      }
      %eq3A_99 = arith.constant 23 : i32
      %eq3A_100 = arith.cmpi eq, %rem3A_61, %eq3A_99 : i32
      %add3A_101 = arith.constant 2 : i32
      %add3A_102 = arith.addi %scan3A_60, %add3A_101 : i32
      %lt3A_103 = arith.constant 125 : i32
      %lt3A_104 = arith.cmpi slt, %add3A_102, %lt3A_103 : i32
      %and3A_105 = arith.andi %eq3A_100, %lt3A_104 : i1
      %convert_element_type3A_106 = arith.extui %and3A_105 : i1 to i32
      %cond3A_107 = arith.constant 0 : i32
      %cond3A_108 = arith.cmpi ne, %convert_element_type3A_106, %cond3A_107 : i32
      scf.if %cond3A_108 {
        %dma_wait3A_116 = arith.constant 0 : i32
        %dma_wait3A_117 = arith.constant 0 : i32
        %dma_wait3A_118 = arith.constant 0 : i32
        %dma_wait3A_119 = tpu.memref_slice %arg7[%dma_wait3A_116, %dma_wait3A_117, %dma_wait3A_118] : memref<2x25x80xi32, #tpu.memory_space<vmem>> -> memref<1x25x80xi32, #tpu.memory_space<vmem>>
        %dma_wait3A_120 = tpu.memref_squeeze %dma_wait3A_119 : memref<1x25x80xi32, #tpu.memory_space<vmem>> -> memref<25x80xi32, #tpu.memory_space<vmem>>
        %dma_wait3A_121 = arith.constant 0 : i32
        %dma_wait3A_122 = arith.constant 0 : i32
        %dma_wait3A_123 = tpu.memref_slice %arg3[%add3A, %dma_wait3A_121, %dma_wait3A_122] : memref<32x125x80xi32, #tpu.memory_space<hbm>> -> memref<1x25x80xi32, #tpu.memory_space<hbm>>
        %dma_wait3A_124 = tpu.memref_squeeze %dma_wait3A_123 : memref<1x25x80xi32, #tpu.memory_space<hbm>> -> memref<25x80xi32, #tpu.memory_space<hbm>>
        %dma_wait3A_125 = arith.constant 0 : i32
        %dma_wait3A_126 = arith.constant 0 : i32
        %dma_wait3A_127 = tpu.memref_slice %arg7[%dma_wait3A_116, %dma_wait3A_125, %dma_wait3A_126] : memref<2x25x80xi32, #tpu.memory_space<vmem>> -> memref<1x25x80xi32, #tpu.memory_space<vmem>>
        %dma_wait3A_128 = tpu.memref_squeeze %dma_wait3A_127 : memref<1x25x80xi32, #tpu.memory_space<vmem>> -> memref<25x80xi32, #tpu.memory_space<vmem>>
        %dma_wait3A_129 = arith.constant 0 : i32
        %dma_wait3A_130 = arith.constant 0 : i32
        %dma_wait3A_131 = tpu.memref_slice %arg3[%add3A, %dma_wait3A_129, %dma_wait3A_130] : memref<32x125x80xi32, #tpu.memory_space<hbm>> -> memref<1x25x80xi32, #tpu.memory_space<hbm>>
        %dma_wait3A_132 = tpu.memref_squeeze %dma_wait3A_131 : memref<1x25x80xi32, #tpu.memory_space<hbm>> -> memref<25x80xi32, #tpu.memory_space<hbm>>
        tpu.wait_dma2 semaphore(%arg13 : memref<!tpu.dma_semaphore, #tpu.memory_space<semaphore_mem>>) src(%dma_wait3A_132 : memref<25x80xi32, #tpu.memory_space<hbm>>) dst(%dma_wait3A_128 : memref<25x80xi32, #tpu.memory_space<vmem>>)
        %dma_wait3A_133 = arith.constant 0 : i32
        %dma_wait3A_134 = arith.constant 0 : i32
        %dma_wait3A_135 = arith.constant 0 : i32
        %dma_wait3A_136 = tpu.memref_slice %arg8[%dma_wait3A_133, %dma_wait3A_134, %dma_wait3A_135] : memref<2x25x80xi32, #tpu.memory_space<vmem>> -> memref<1x25x80xi32, #tpu.memory_space<vmem>>
        %dma_wait3A_137 = tpu.memref_squeeze %dma_wait3A_136 : memref<1x25x80xi32, #tpu.memory_space<vmem>> -> memref<25x80xi32, #tpu.memory_space<vmem>>
        %dma_wait3A_138 = arith.constant 0 : i32
        %dma_wait3A_139 = arith.constant 0 : i32
        %dma_wait3A_140 = tpu.memref_slice %arg4[%add3A, %dma_wait3A_138, %dma_wait3A_139] : memref<32x125x80xi32, #tpu.memory_space<hbm>> -> memref<1x25x80xi32, #tpu.memory_space<hbm>>
        %dma_wait3A_141 = tpu.memref_squeeze %dma_wait3A_140 : memref<1x25x80xi32, #tpu.memory_space<hbm>> -> memref<25x80xi32, #tpu.memory_space<hbm>>
        %dma_wait3A_142 = arith.constant 0 : i32
        %dma_wait3A_143 = arith.constant 0 : i32
        %dma_wait3A_144 = tpu.memref_slice %arg8[%dma_wait3A_133, %dma_wait3A_142, %dma_wait3A_143] : memref<2x25x80xi32, #tpu.memory_space<vmem>> -> memref<1x25x80xi32, #tpu.memory_space<vmem>>
        %dma_wait3A_145 = tpu.memref_squeeze %dma_wait3A_144 : memref<1x25x80xi32, #tpu.memory_space<vmem>> -> memref<25x80xi32, #tpu.memory_space<vmem>>
        %dma_wait3A_146 = arith.constant 0 : i32
        %dma_wait3A_147 = arith.constant 0 : i32
        %dma_wait3A_148 = tpu.memref_slice %arg4[%add3A, %dma_wait3A_146, %dma_wait3A_147] : memref<32x125x80xi32, #tpu.memory_space<hbm>> -> memref<1x25x80xi32, #tpu.memory_space<hbm>>
        %dma_wait3A_149 = tpu.memref_squeeze %dma_wait3A_148 : memref<1x25x80xi32, #tpu.memory_space<hbm>> -> memref<25x80xi32, #tpu.memory_space<hbm>>
        tpu.wait_dma2 semaphore(%arg13 : memref<!tpu.dma_semaphore, #tpu.memory_space<semaphore_mem>>) src(%dma_wait3A_149 : memref<25x80xi32, #tpu.memory_space<hbm>>) dst(%dma_wait3A_145 : memref<25x80xi32, #tpu.memory_space<vmem>>)
      } else {
      }
      %add3A_109 = arith.constant 2 : i32
      %add3A_110 = arith.addi %scan3A_60, %add3A_109 : i32
      %lt3A_111 = arith.constant 125 : i32
      %lt3A_112 = arith.cmpi slt, %add3A_110, %lt3A_111 : i32
      %convert_element_type3A_113 = arith.extui %lt3A_112 : i1 to i32
      %cond3A_114 = arith.constant 0 : i32
      %cond3A_115 = arith.cmpi ne, %convert_element_type3A_113, %cond3A_114 : i32
      scf.if %cond3A_115 {
        %add3A_116 = arith.constant 2 : i32
        %add3A_117 = arith.addi %scan3A_60, %add3A_116 : i32
        %rem3A_118 = arith.constant 25 : i32
        %rem3A_119 = arith.remsi %add3A_117, %rem3A_118 : i32
        %div3A_120 = arith.constant 25 : i32
        %div3A_121 = arith.divsi %add3A_117, %div3A_120 : i32
        %rem3A_122 = arith.constant 2 : i32
        %rem3A_123 = arith.remsi %div3A_121, %rem3A_122 : i32
        %rem3A_124 = arith.constant 3 : i32
        %rem3A_125 = arith.remsi %add3A_117, %rem3A_124 : i32
        %dma_start3A_126 = arith.constant 0 : i32
        %dma_start3A_127 = arith.constant 0 : i32
        %dma_start3A_128 = tpu.memref_slice %arg9[%rem3A_125, %dma_start3A_126, %dma_start3A_127] : memref<3x80x128xf32, #tpu.memory_space<vmem>> -> memref<1x80x128xf32, #tpu.memory_space<vmem>>
        %dma_start3A_129 = tpu.memref_squeeze %dma_start3A_128 : memref<1x80x128xf32, #tpu.memory_space<vmem>> -> memref<80x128xf32, #tpu.memory_space<vmem>>
        %dma_start3A_130 = arith.constant 0 : i32
        %dma_start3A_131 = tpu.memref_slice %arg7[%rem3A_123, %rem3A_119, %dma_start3A_130] : memref<2x25x80xi32, #tpu.memory_space<vmem>> -> memref<1x1x80xi32, #tpu.memory_space<vmem>>
        %dma_start3A_132 = tpu.memref_squeeze %dma_start3A_131 : memref<1x1x80xi32, #tpu.memory_space<vmem>> -> memref<80xi32, #tpu.memory_space<vmem>>
        %dma_start3A_133 = arith.constant 0 : i32
        %dma_start3A_134 = arith.constant 0 : i32
        %dma_start3A_135 = tpu.memref_slice %arg2[%dma_start3A_133, %dma_start3A_134] : memref<10000x128xf32, #tpu.memory_space<hbm>> -> memref<10000x128xf32, #tpu.memory_space<hbm>>
        tpu.enqueue_indirect_dma source(%dma_start3A_135 : memref<10000x128xf32, #tpu.memory_space<hbm>>) target(%dma_start3A_129 : memref<80x128xf32, #tpu.memory_space<vmem>>) offsets(%dma_start3A_132 : memref<80xi32, #tpu.memory_space<vmem>>) semaphore(%arg11 : memref<!tpu.dma_semaphore, #tpu.memory_space<semaphore_mem>>)
      } else {
      }
    }
    %scan3A_37 = arith.constant 125 : i32
    %dma_wait3A = arith.constant 0 : i32
    %dma_wait3A_38 = arith.constant 0 : i32
    %dma_wait3A_39 = arith.constant 0 : i32
    %dma_wait3A_40 = arith.constant 0 : i32
    %dma_wait3A_41 = arith.constant 0 : i32
    %dma_wait3A_42 = tpu.memref_slice %arg9[%dma_wait3A, %dma_wait3A_40, %dma_wait3A_41] : memref<3x80x128xf32, #tpu.memory_space<vmem>> -> memref<1x80x128xf32, #tpu.memory_space<vmem>>
    %dma_wait3A_43 = tpu.memref_squeeze %dma_wait3A_42 : memref<1x80x128xf32, #tpu.memory_space<vmem>> -> memref<80x128xf32, #tpu.memory_space<vmem>>
    %dma_wait3A_44 = arith.constant 0 : i32
    %dma_wait3A_45 = tpu.memref_slice %arg8[%dma_wait3A_38, %dma_wait3A_39, %dma_wait3A_44] : memref<2x25x80xi32, #tpu.memory_space<vmem>> -> memref<1x1x80xi32, #tpu.memory_space<vmem>>
    %dma_wait3A_46 = tpu.memref_squeeze %dma_wait3A_45 : memref<1x1x80xi32, #tpu.memory_space<vmem>> -> memref<80xi32, #tpu.memory_space<vmem>>
    %dma_wait3A_47 = arith.constant 0 : i32
    %dma_wait3A_48 = arith.constant 0 : i32
    %dma_wait3A_49 = tpu.memref_slice %arg10[%dma_wait3A_47, %dma_wait3A_48] : memref<10000x128xf32, #tpu.memory_space<vmem_shared>> -> memref<10000x128xf32, #tpu.memory_space<vmem_shared>>
    tpu.wait_indirect_dma semaphore(%arg12 : memref<!tpu.dma_semaphore, #tpu.memory_space<semaphore_mem>>) src(%dma_wait3A_43 : memref<80x128xf32, #tpu.memory_space<vmem>>) dst(%dma_wait3A_49 : memref<10000x128xf32, #tpu.memory_space<vmem_shared>>)
    %barrier3A_50 = arith.constant 0 : index
    tpu.barrier barrier_id(%barrier3A_50)
    %mul3A_51 = arith.constant 624 : i32
    %mul3A_52 = arith.muli %arg1, %mul3A_51 : i32
    %mul3A_53 = arith.constant 624 : i32
    %mul3A_54 = arith.muli %arg1, %mul3A_53 : i32
    "tpu.region"() ({
      %run_scoped3A_60 = tpu.sem_alloc : memref<!tpu.dma_semaphore, #tpu.memory_space<semaphore_mem>>
      %dma_start3A_61 = arith.constant 0 : i32
      %dma_start3A_62 = tpu.memref_slice %arg6[%arg0, %mul3A_54, %dma_start3A_61] : memref<2x10000x128xf32, #tpu.memory_space<hbm>> -> memref<1x624x128xf32, #tpu.memory_space<hbm>>
      %dma_start3A_63 = tpu.memref_squeeze %dma_start3A_62 : memref<1x624x128xf32, #tpu.memory_space<hbm>> -> memref<624x128xf32, #tpu.memory_space<hbm>>
      %dma_start3A_64 = arith.constant 0 : i32
      %dma_start3A_65 = tpu.memref_slice %arg10[%mul3A_52, %dma_start3A_64] : memref<10000x128xf32, #tpu.memory_space<vmem_shared>> -> memref<624x128xf32, #tpu.memory_space<vmem_shared>>
      tpu.enqueue_dma source(%dma_start3A_65 : memref<624x128xf32, #tpu.memory_space<vmem_shared>>) target(%dma_start3A_63 : memref<624x128xf32, #tpu.memory_space<hbm>>) target_semaphore(%run_scoped3A_60 : memref<!tpu.dma_semaphore, #tpu.memory_space<semaphore_mem>>)
      %dma_wait3A_66 = arith.constant 0 : i32
      %dma_wait3A_67 = tpu.memref_slice %arg6[%arg0, %mul3A_54, %dma_wait3A_66] : memref<2x10000x128xf32, #tpu.memory_space<hbm>> -> memref<1x624x128xf32, #tpu.memory_space<hbm>>
      %dma_wait3A_68 = tpu.memref_squeeze %dma_wait3A_67 : memref<1x624x128xf32, #tpu.memory_space<hbm>> -> memref<624x128xf32, #tpu.memory_space<hbm>>
      %dma_wait3A_69 = arith.constant 0 : i32
      %dma_wait3A_70 = tpu.memref_slice %arg10[%mul3A_52, %dma_wait3A_69] : memref<10000x128xf32, #tpu.memory_space<vmem_shared>> -> memref<624x128xf32, #tpu.memory_space<vmem_shared>>
      tpu.wait_dma2 semaphore(%run_scoped3A_60 : memref<!tpu.dma_semaphore, #tpu.memory_space<semaphore_mem>>) src(%dma_wait3A_70 : memref<624x128xf32, #tpu.memory_space<vmem_shared>>) dst(%dma_wait3A_68 : memref<624x128xf32, #tpu.memory_space<hbm>>)
      tpu.yield
    }) : () -> ()
    %eq3A_55 = arith.constant 0 : i32
    %eq3A_56 = arith.cmpi eq, %arg1, %eq3A_55 : i32
    %convert_element_type3A_57 = arith.extui %eq3A_56 : i1 to i32
    %cond3A_58 = arith.constant 0 : i32
    %cond3A_59 = arith.cmpi ne, %convert_element_type3A_57, %cond3A_58 : i32
    scf.if %cond3A_59 {
      "tpu.region"() ({
        %run_scoped3A_60 = tpu.sem_alloc : memref<!tpu.dma_semaphore, #tpu.memory_space<semaphore_mem>>
        %dma_start3A_61 = arith.constant 9984 : i32
        %dma_start3A_62 = arith.constant 0 : i32
        %dma_start3A_63 = tpu.memref_slice %arg6[%arg0, %dma_start3A_61, %dma_start3A_62] : memref<2x10000x128xf32, #tpu.memory_space<hbm>> -> memref<1x16x128xf32, #tpu.memory_space<hbm>>
        %dma_start3A_64 = tpu.memref_squeeze %dma_start3A_63 : memref<1x16x128xf32, #tpu.memory_space<hbm>> -> memref<16x128xf32, #tpu.memory_space<hbm>>
        %dma_start3A_65 = arith.constant 9984 : i32
        %dma_start3A_66 = arith.constant 0 : i32
        %dma_start3A_67 = tpu.memref_slice %arg10[%dma_start3A_65, %dma_start3A_66] : memref<10000x128xf32, #tpu.memory_space<vmem_shared>> -> memref<16x128xf32, #tpu.memory_space<vmem_shared>>
        tpu.enqueue_dma source(%dma_start3A_67 : memref<16x128xf32, #tpu.memory_space<vmem_shared>>) target(%dma_start3A_64 : memref<16x128xf32, #tpu.memory_space<hbm>>) target_semaphore(%run_scoped3A_60 : memref<!tpu.dma_semaphore, #tpu.memory_space<semaphore_mem>>)
        %dma_wait3A_68 = arith.constant 9984 : i32
        %dma_wait3A_69 = arith.constant 0 : i32
        %dma_wait3A_70 = tpu.memref_slice %arg6[%arg0, %dma_wait3A_68, %dma_wait3A_69] : memref<2x10000x128xf32, #tpu.memory_space<hbm>> -> memref<1x16x128xf32, #tpu.memory_space<hbm>>
        %dma_wait3A_71 = tpu.memref_squeeze %dma_wait3A_70 : memref<1x16x128xf32, #tpu.memory_space<hbm>> -> memref<16x128xf32, #tpu.memory_space<hbm>>
        %dma_wait3A_72 = arith.constant 9984 : i32
        %dma_wait3A_73 = arith.constant 0 : i32
        %dma_wait3A_74 = tpu.memref_slice %arg10[%dma_wait3A_72, %dma_wait3A_73] : memref<10000x128xf32, #tpu.memory_space<vmem_shared>> -> memref<16x128xf32, #tpu.memory_space<vmem_shared>>
        tpu.wait_dma2 semaphore(%run_scoped3A_60 : memref<!tpu.dma_semaphore, #tpu.memory_space<semaphore_mem>>) src(%dma_wait3A_74 : memref<16x128xf32, #tpu.memory_space<vmem_shared>>) dst(%dma_wait3A_71 : memref<16x128xf32, #tpu.memory_space<hbm>>)
        tpu.yield
      }) : () -> ()
    } else {
    }
    return
  }
}

#map = affine_map<(d0, d1) -> (0, 0)>
#map1 = affine_map<(d0, d1) -> (0, 0, 0)>
module attributes {stable_mosaic.version = 14 : i64} {
  func.func @sc_agg(%arg0: i32, %arg1: i32, %arg2: memref<10000x128xf32, #tpu.memory_space<hbm>>, %arg3: memref<32x125x80xi32, #tpu.memory_space<hbm>>, %arg4: memref<32x125x80xi32, #tpu.memory_space<hbm>>, %arg5: memref<10000x128xf32, #tpu.memory_space<hbm>>, %arg6: memref<80x16xf32, #tpu.memory_space<hbm>>, %arg7: memref<10000x16xf32, #tpu.memory_space<hbm>>, %arg8: memref<2x10000x128xf32, #tpu.memory_space<hbm>>, %arg9: memref<2x10000x16xf32, #tpu.memory_space<hbm>>, %arg10: memref<2x25x80xi32, #tpu.memory_space<vmem>>, %arg11: memref<2x25x80xi32, #tpu.memory_space<vmem>>, %arg12: memref<3x80x128xf32, #tpu.memory_space<vmem>>, %arg13: memref<10000x128xf32, #tpu.memory_space<vmem_shared>>, %arg14: memref<!tpu.dma_semaphore, #tpu.memory_space<semaphore_mem>>, %arg15: memref<!tpu.dma_semaphore, #tpu.memory_space<semaphore_mem>>, %arg16: memref<!tpu.dma_semaphore, #tpu.memory_space<semaphore_mem>>, %arg17: memref<80x16xf32, #tpu.memory_space<vmem>>, %arg18: memref<10000x16xf32, #tpu.memory_space<vmem_shared>>, %arg19: memref<!tpu.dma_semaphore, #tpu.memory_space<semaphore_mem>>) attributes {dimension_semantics = [#tpu.dimension_semantics<core_parallel>, #tpu.dimension_semantics<subcore_parallel>], iteration_bounds = array<i64: 2, 16>, scalar_prefetch = 0 : i64, scratch_operands = 10 : i64, tpu.core_type = #tpu.core_type<sc_vector_subcore>, window_params = [{transform_indices = #map}, {transform_indices = #map1}, {transform_indices = #map1}, {transform_indices = #map}, {transform_indices = #map}, {transform_indices = #map}, {transform_indices = #map1}, {transform_indices = #map1}]} {
    %mul3A = arith.constant 16 : i32
    %mul3A_0 = arith.muli %arg0, %mul3A : i32
    %add3A = arith.addi %mul3A_0, %arg1 : i32
    %mul3A_1 = arith.constant 624 : i32
    %mul3A_2 = arith.muli %arg1, %mul3A_1 : i32
    %mul3A_3 = arith.constant 624 : i32
    %mul3A_4 = arith.muli %arg1, %mul3A_3 : i32
    "tpu.region"() ({
      %run_scoped3A_76 = tpu.sem_alloc : memref<!tpu.dma_semaphore, #tpu.memory_space<semaphore_mem>>
      %dma_start3A_77 = arith.constant 0 : i32
      %dma_start3A_78 = tpu.memref_slice %arg13[%mul3A_4, %dma_start3A_77] : memref<10000x128xf32, #tpu.memory_space<vmem_shared>> -> memref<624x128xf32, #tpu.memory_space<vmem_shared>>
      %dma_start3A_79 = arith.constant 0 : i32
      %dma_start3A_80 = tpu.memref_slice %arg5[%mul3A_2, %dma_start3A_79] : memref<10000x128xf32, #tpu.memory_space<hbm>> -> memref<624x128xf32, #tpu.memory_space<hbm>>
      tpu.enqueue_dma source(%dma_start3A_80 : memref<624x128xf32, #tpu.memory_space<hbm>>) target(%dma_start3A_78 : memref<624x128xf32, #tpu.memory_space<vmem_shared>>) target_semaphore(%run_scoped3A_76 : memref<!tpu.dma_semaphore, #tpu.memory_space<semaphore_mem>>)
      %dma_wait3A_81 = arith.constant 0 : i32
      %dma_wait3A_82 = tpu.memref_slice %arg13[%mul3A_4, %dma_wait3A_81] : memref<10000x128xf32, #tpu.memory_space<vmem_shared>> -> memref<624x128xf32, #tpu.memory_space<vmem_shared>>
      %dma_wait3A_83 = arith.constant 0 : i32
      %dma_wait3A_84 = tpu.memref_slice %arg5[%mul3A_2, %dma_wait3A_83] : memref<10000x128xf32, #tpu.memory_space<hbm>> -> memref<624x128xf32, #tpu.memory_space<hbm>>
      tpu.wait_dma2 semaphore(%run_scoped3A_76 : memref<!tpu.dma_semaphore, #tpu.memory_space<semaphore_mem>>) src(%dma_wait3A_84 : memref<624x128xf32, #tpu.memory_space<hbm>>) dst(%dma_wait3A_82 : memref<624x128xf32, #tpu.memory_space<vmem_shared>>)
      tpu.yield
    }) : () -> ()
    %mul3A_5 = arith.constant 624 : i32
    %mul3A_6 = arith.muli %arg1, %mul3A_5 : i32
    %mul3A_7 = arith.constant 624 : i32
    %mul3A_8 = arith.muli %arg1, %mul3A_7 : i32
    "tpu.region"() ({
      %run_scoped3A_76 = tpu.sem_alloc : memref<!tpu.dma_semaphore, #tpu.memory_space<semaphore_mem>>
      %dma_start3A_77 = arith.constant 0 : i32
      %dma_start3A_78 = tpu.memref_slice %arg18[%mul3A_8, %dma_start3A_77] : memref<10000x16xf32, #tpu.memory_space<vmem_shared>> -> memref<624x16xf32, #tpu.memory_space<vmem_shared>>
      %dma_start3A_79 = arith.constant 0 : i32
      %dma_start3A_80 = tpu.memref_slice %arg7[%mul3A_6, %dma_start3A_79] : memref<10000x16xf32, #tpu.memory_space<hbm>> -> memref<624x16xf32, #tpu.memory_space<hbm>>
      tpu.enqueue_dma source(%dma_start3A_80 : memref<624x16xf32, #tpu.memory_space<hbm>>) target(%dma_start3A_78 : memref<624x16xf32, #tpu.memory_space<vmem_shared>>) target_semaphore(%run_scoped3A_76 : memref<!tpu.dma_semaphore, #tpu.memory_space<semaphore_mem>>)
      %dma_wait3A_81 = arith.constant 0 : i32
      %dma_wait3A_82 = tpu.memref_slice %arg18[%mul3A_8, %dma_wait3A_81] : memref<10000x16xf32, #tpu.memory_space<vmem_shared>> -> memref<624x16xf32, #tpu.memory_space<vmem_shared>>
      %dma_wait3A_83 = arith.constant 0 : i32
      %dma_wait3A_84 = tpu.memref_slice %arg7[%mul3A_6, %dma_wait3A_83] : memref<10000x16xf32, #tpu.memory_space<hbm>> -> memref<624x16xf32, #tpu.memory_space<hbm>>
      tpu.wait_dma2 semaphore(%run_scoped3A_76 : memref<!tpu.dma_semaphore, #tpu.memory_space<semaphore_mem>>) src(%dma_wait3A_84 : memref<624x16xf32, #tpu.memory_space<hbm>>) dst(%dma_wait3A_82 : memref<624x16xf32, #tpu.memory_space<vmem_shared>>)
      tpu.yield
    }) : () -> ()
    "tpu.region"() ({
      %run_scoped3A_76 = tpu.sem_alloc : memref<!tpu.dma_semaphore, #tpu.memory_space<semaphore_mem>>
      tpu.enqueue_dma source(%arg6 : memref<80x16xf32, #tpu.memory_space<hbm>>) target(%arg17 : memref<80x16xf32, #tpu.memory_space<vmem>>) target_semaphore(%run_scoped3A_76 : memref<!tpu.dma_semaphore, #tpu.memory_space<semaphore_mem>>)
      tpu.wait_dma2 semaphore(%run_scoped3A_76 : memref<!tpu.dma_semaphore, #tpu.memory_space<semaphore_mem>>) src(%arg6 : memref<80x16xf32, #tpu.memory_space<hbm>>) dst(%arg17 : memref<80x16xf32, #tpu.memory_space<vmem>>)
      tpu.yield
    }) : () -> ()
    %eq3A = arith.constant 0 : i32
    %eq3A_9 = arith.cmpi eq, %arg1, %eq3A : i32
    %convert_element_type3A = arith.extui %eq3A_9 : i1 to i32
    %cond3A = arith.constant 0 : i32
    %cond3A_10 = arith.cmpi ne, %convert_element_type3A, %cond3A : i32
    scf.if %cond3A_10 {
      "tpu.region"() ({
        %run_scoped3A_76 = tpu.sem_alloc : memref<!tpu.dma_semaphore, #tpu.memory_space<semaphore_mem>>
        %dma_start3A_77 = arith.constant 9984 : i32
        %dma_start3A_78 = arith.constant 0 : i32
        %dma_start3A_79 = tpu.memref_slice %arg13[%dma_start3A_77, %dma_start3A_78] : memref<10000x128xf32, #tpu.memory_space<vmem_shared>> -> memref<16x128xf32, #tpu.memory_space<vmem_shared>>
        %dma_start3A_80 = arith.constant 9984 : i32
        %dma_start3A_81 = arith.constant 0 : i32
        %dma_start3A_82 = tpu.memref_slice %arg5[%dma_start3A_80, %dma_start3A_81] : memref<10000x128xf32, #tpu.memory_space<hbm>> -> memref<16x128xf32, #tpu.memory_space<hbm>>
        tpu.enqueue_dma source(%dma_start3A_82 : memref<16x128xf32, #tpu.memory_space<hbm>>) target(%dma_start3A_79 : memref<16x128xf32, #tpu.memory_space<vmem_shared>>) target_semaphore(%run_scoped3A_76 : memref<!tpu.dma_semaphore, #tpu.memory_space<semaphore_mem>>)
        %dma_wait3A_83 = arith.constant 9984 : i32
        %dma_wait3A_84 = arith.constant 0 : i32
        %dma_wait3A_85 = tpu.memref_slice %arg13[%dma_wait3A_83, %dma_wait3A_84] : memref<10000x128xf32, #tpu.memory_space<vmem_shared>> -> memref<16x128xf32, #tpu.memory_space<vmem_shared>>
        %dma_wait3A_86 = arith.constant 9984 : i32
        %dma_wait3A_87 = arith.constant 0 : i32
        %dma_wait3A_88 = tpu.memref_slice %arg5[%dma_wait3A_86, %dma_wait3A_87] : memref<10000x128xf32, #tpu.memory_space<hbm>> -> memref<16x128xf32, #tpu.memory_space<hbm>>
        tpu.wait_dma2 semaphore(%run_scoped3A_76 : memref<!tpu.dma_semaphore, #tpu.memory_space<semaphore_mem>>) src(%dma_wait3A_88 : memref<16x128xf32, #tpu.memory_space<hbm>>) dst(%dma_wait3A_85 : memref<16x128xf32, #tpu.memory_space<vmem_shared>>)
        tpu.yield
      }) : () -> ()
      "tpu.region"() ({
        %run_scoped3A_76 = tpu.sem_alloc : memref<!tpu.dma_semaphore, #tpu.memory_space<semaphore_mem>>
        %dma_start3A_77 = arith.constant 9984 : i32
        %dma_start3A_78 = arith.constant 0 : i32
        %dma_start3A_79 = tpu.memref_slice %arg18[%dma_start3A_77, %dma_start3A_78] : memref<10000x16xf32, #tpu.memory_space<vmem_shared>> -> memref<16x16xf32, #tpu.memory_space<vmem_shared>>
        %dma_start3A_80 = arith.constant 9984 : i32
        %dma_start3A_81 = arith.constant 0 : i32
        %dma_start3A_82 = tpu.memref_slice %arg7[%dma_start3A_80, %dma_start3A_81] : memref<10000x16xf32, #tpu.memory_space<hbm>> -> memref<16x16xf32, #tpu.memory_space<hbm>>
        tpu.enqueue_dma source(%dma_start3A_82 : memref<16x16xf32, #tpu.memory_space<hbm>>) target(%dma_start3A_79 : memref<16x16xf32, #tpu.memory_space<vmem_shared>>) target_semaphore(%run_scoped3A_76 : memref<!tpu.dma_semaphore, #tpu.memory_space<semaphore_mem>>)
        %dma_wait3A_83 = arith.constant 9984 : i32
        %dma_wait3A_84 = arith.constant 0 : i32
        %dma_wait3A_85 = tpu.memref_slice %arg18[%dma_wait3A_83, %dma_wait3A_84] : memref<10000x16xf32, #tpu.memory_space<vmem_shared>> -> memref<16x16xf32, #tpu.memory_space<vmem_shared>>
        %dma_wait3A_86 = arith.constant 9984 : i32
        %dma_wait3A_87 = arith.constant 0 : i32
        %dma_wait3A_88 = tpu.memref_slice %arg7[%dma_wait3A_86, %dma_wait3A_87] : memref<10000x16xf32, #tpu.memory_space<hbm>> -> memref<16x16xf32, #tpu.memory_space<hbm>>
        tpu.wait_dma2 semaphore(%run_scoped3A_76 : memref<!tpu.dma_semaphore, #tpu.memory_space<semaphore_mem>>) src(%dma_wait3A_88 : memref<16x16xf32, #tpu.memory_space<hbm>>) dst(%dma_wait3A_85 : memref<16x16xf32, #tpu.memory_space<vmem_shared>>)
        tpu.yield
      }) : () -> ()
    } else {
    }
    %run_scoped3A = arith.constant 0 : i32
    "tpu.region"() ({
      %run_scoped3A_76 = tpu.sem_alloc : memref<!tpu.dma_semaphore, #tpu.memory_space<semaphore_mem>>
      %dma_start3A_77 = arith.constant 0 : i32
      %dma_start3A_78 = arith.constant 0 : i32
      %dma_start3A_79 = tpu.memref_slice %arg10[%run_scoped3A, %dma_start3A_77, %dma_start3A_78] : memref<2x25x80xi32, #tpu.memory_space<vmem>> -> memref<1x25x80xi32, #tpu.memory_space<vmem>>
      %dma_start3A_80 = tpu.memref_squeeze %dma_start3A_79 : memref<1x25x80xi32, #tpu.memory_space<vmem>> -> memref<25x80xi32, #tpu.memory_space<vmem>>
      %dma_start3A_81 = arith.constant 0 : i32
      %dma_start3A_82 = arith.constant 0 : i32
      %dma_start3A_83 = tpu.memref_slice %arg3[%add3A, %dma_start3A_81, %dma_start3A_82] : memref<32x125x80xi32, #tpu.memory_space<hbm>> -> memref<1x25x80xi32, #tpu.memory_space<hbm>>
      %dma_start3A_84 = tpu.memref_squeeze %dma_start3A_83 : memref<1x25x80xi32, #tpu.memory_space<hbm>> -> memref<25x80xi32, #tpu.memory_space<hbm>>
      %dma_start3A_85 = arith.constant 0 : i32
      %dma_start3A_86 = arith.constant 0 : i32
      %dma_start3A_87 = tpu.memref_slice %arg10[%run_scoped3A, %dma_start3A_85, %dma_start3A_86] : memref<2x25x80xi32, #tpu.memory_space<vmem>> -> memref<1x25x80xi32, #tpu.memory_space<vmem>>
      %dma_start3A_88 = tpu.memref_squeeze %dma_start3A_87 : memref<1x25x80xi32, #tpu.memory_space<vmem>> -> memref<25x80xi32, #tpu.memory_space<vmem>>
      %dma_start3A_89 = arith.constant 0 : i32
      %dma_start3A_90 = arith.constant 0 : i32
      %dma_start3A_91 = tpu.memref_slice %arg3[%add3A, %dma_start3A_89, %dma_start3A_90] : memref<32x125x80xi32, #tpu.memory_space<hbm>> -> memref<1x25x80xi32, #tpu.memory_space<hbm>>
      %dma_start3A_92 = tpu.memref_squeeze %dma_start3A_91 : memref<1x25x80xi32, #tpu.memory_space<hbm>> -> memref<25x80xi32, #tpu.memory_space<hbm>>
      tpu.enqueue_dma source(%dma_start3A_92 : memref<25x80xi32, #tpu.memory_space<hbm>>) target(%dma_start3A_88 : memref<25x80xi32, #tpu.memory_space<vmem>>) target_semaphore(%run_scoped3A_76 : memref<!tpu.dma_semaphore, #tpu.memory_space<semaphore_mem>>)
      %dma_wait3A_93 = arith.constant 0 : i32
      %dma_wait3A_94 = arith.constant 0 : i32
      %dma_wait3A_95 = tpu.memref_slice %arg10[%run_scoped3A, %dma_wait3A_93, %dma_wait3A_94] : memref<2x25x80xi32, #tpu.memory_space<vmem>> -> memref<1x25x80xi32, #tpu.memory_space<vmem>>
      %dma_wait3A_96 = tpu.memref_squeeze %dma_wait3A_95 : memref<1x25x80xi32, #tpu.memory_space<vmem>> -> memref<25x80xi32, #tpu.memory_space<vmem>>
      %dma_wait3A_97 = arith.constant 0 : i32
      %dma_wait3A_98 = arith.constant 0 : i32
      %dma_wait3A_99 = tpu.memref_slice %arg3[%add3A, %dma_wait3A_97, %dma_wait3A_98] : memref<32x125x80xi32, #tpu.memory_space<hbm>> -> memref<1x25x80xi32, #tpu.memory_space<hbm>>
      %dma_wait3A_100 = tpu.memref_squeeze %dma_wait3A_99 : memref<1x25x80xi32, #tpu.memory_space<hbm>> -> memref<25x80xi32, #tpu.memory_space<hbm>>
      %dma_wait3A_101 = arith.constant 0 : i32
      %dma_wait3A_102 = arith.constant 0 : i32
      %dma_wait3A_103 = tpu.memref_slice %arg10[%run_scoped3A, %dma_wait3A_101, %dma_wait3A_102] : memref<2x25x80xi32, #tpu.memory_space<vmem>> -> memref<1x25x80xi32, #tpu.memory_space<vmem>>
      %dma_wait3A_104 = tpu.memref_squeeze %dma_wait3A_103 : memref<1x25x80xi32, #tpu.memory_space<vmem>> -> memref<25x80xi32, #tpu.memory_space<vmem>>
      %dma_wait3A_105 = arith.constant 0 : i32
      %dma_wait3A_106 = arith.constant 0 : i32
      %dma_wait3A_107 = tpu.memref_slice %arg3[%add3A, %dma_wait3A_105, %dma_wait3A_106] : memref<32x125x80xi32, #tpu.memory_space<hbm>> -> memref<1x25x80xi32, #tpu.memory_space<hbm>>
      %dma_wait3A_108 = tpu.memref_squeeze %dma_wait3A_107 : memref<1x25x80xi32, #tpu.memory_space<hbm>> -> memref<25x80xi32, #tpu.memory_space<hbm>>
      tpu.wait_dma2 semaphore(%run_scoped3A_76 : memref<!tpu.dma_semaphore, #tpu.memory_space<semaphore_mem>>) src(%dma_wait3A_108 : memref<25x80xi32, #tpu.memory_space<hbm>>) dst(%dma_wait3A_104 : memref<25x80xi32, #tpu.memory_space<vmem>>)
      tpu.yield
    }) : () -> ()
    %run_scoped3A_11 = arith.constant 0 : i32
    "tpu.region"() ({
      %run_scoped3A_76 = tpu.sem_alloc : memref<!tpu.dma_semaphore, #tpu.memory_space<semaphore_mem>>
      %dma_start3A_77 = arith.constant 0 : i32
      %dma_start3A_78 = arith.constant 0 : i32
      %dma_start3A_79 = tpu.memref_slice %arg11[%run_scoped3A_11, %dma_start3A_77, %dma_start3A_78] : memref<2x25x80xi32, #tpu.memory_space<vmem>> -> memref<1x25x80xi32, #tpu.memory_space<vmem>>
      %dma_start3A_80 = tpu.memref_squeeze %dma_start3A_79 : memref<1x25x80xi32, #tpu.memory_space<vmem>> -> memref<25x80xi32, #tpu.memory_space<vmem>>
      %dma_start3A_81 = arith.constant 0 : i32
      %dma_start3A_82 = arith.constant 0 : i32
      %dma_start3A_83 = tpu.memref_slice %arg4[%add3A, %dma_start3A_81, %dma_start3A_82] : memref<32x125x80xi32, #tpu.memory_space<hbm>> -> memref<1x25x80xi32, #tpu.memory_space<hbm>>
      %dma_start3A_84 = tpu.memref_squeeze %dma_start3A_83 : memref<1x25x80xi32, #tpu.memory_space<hbm>> -> memref<25x80xi32, #tpu.memory_space<hbm>>
      %dma_start3A_85 = arith.constant 0 : i32
      %dma_start3A_86 = arith.constant 0 : i32
      %dma_start3A_87 = tpu.memref_slice %arg11[%run_scoped3A_11, %dma_start3A_85, %dma_start3A_86] : memref<2x25x80xi32, #tpu.memory_space<vmem>> -> memref<1x25x80xi32, #tpu.memory_space<vmem>>
      %dma_start3A_88 = tpu.memref_squeeze %dma_start3A_87 : memref<1x25x80xi32, #tpu.memory_space<vmem>> -> memref<25x80xi32, #tpu.memory_space<vmem>>
      %dma_start3A_89 = arith.constant 0 : i32
      %dma_start3A_90 = arith.constant 0 : i32
      %dma_start3A_91 = tpu.memref_slice %arg4[%add3A, %dma_start3A_89, %dma_start3A_90] : memref<32x125x80xi32, #tpu.memory_space<hbm>> -> memref<1x25x80xi32, #tpu.memory_space<hbm>>
      %dma_start3A_92 = tpu.memref_squeeze %dma_start3A_91 : memref<1x25x80xi32, #tpu.memory_space<hbm>> -> memref<25x80xi32, #tpu.memory_space<hbm>>
      tpu.enqueue_dma source(%dma_start3A_92 : memref<25x80xi32, #tpu.memory_space<hbm>>) target(%dma_start3A_88 : memref<25x80xi32, #tpu.memory_space<vmem>>) target_semaphore(%run_scoped3A_76 : memref<!tpu.dma_semaphore, #tpu.memory_space<semaphore_mem>>)
      %dma_wait3A_93 = arith.constant 0 : i32
      %dma_wait3A_94 = arith.constant 0 : i32
      %dma_wait3A_95 = tpu.memref_slice %arg11[%run_scoped3A_11, %dma_wait3A_93, %dma_wait3A_94] : memref<2x25x80xi32, #tpu.memory_space<vmem>> -> memref<1x25x80xi32, #tpu.memory_space<vmem>>
      %dma_wait3A_96 = tpu.memref_squeeze %dma_wait3A_95 : memref<1x25x80xi32, #tpu.memory_space<vmem>> -> memref<25x80xi32, #tpu.memory_space<vmem>>
      %dma_wait3A_97 = arith.constant 0 : i32
      %dma_wait3A_98 = arith.constant 0 : i32
      %dma_wait3A_99 = tpu.memref_slice %arg4[%add3A, %dma_wait3A_97, %dma_wait3A_98] : memref<32x125x80xi32, #tpu.memory_space<hbm>> -> memref<1x25x80xi32, #tpu.memory_space<hbm>>
      %dma_wait3A_100 = tpu.memref_squeeze %dma_wait3A_99 : memref<1x25x80xi32, #tpu.memory_space<hbm>> -> memref<25x80xi32, #tpu.memory_space<hbm>>
      %dma_wait3A_101 = arith.constant 0 : i32
      %dma_wait3A_102 = arith.constant 0 : i32
      %dma_wait3A_103 = tpu.memref_slice %arg11[%run_scoped3A_11, %dma_wait3A_101, %dma_wait3A_102] : memref<2x25x80xi32, #tpu.memory_space<vmem>> -> memref<1x25x80xi32, #tpu.memory_space<vmem>>
      %dma_wait3A_104 = tpu.memref_squeeze %dma_wait3A_103 : memref<1x25x80xi32, #tpu.memory_space<vmem>> -> memref<25x80xi32, #tpu.memory_space<vmem>>
      %dma_wait3A_105 = arith.constant 0 : i32
      %dma_wait3A_106 = arith.constant 0 : i32
      %dma_wait3A_107 = tpu.memref_slice %arg4[%add3A, %dma_wait3A_105, %dma_wait3A_106] : memref<32x125x80xi32, #tpu.memory_space<hbm>> -> memref<1x25x80xi32, #tpu.memory_space<hbm>>
      %dma_wait3A_108 = tpu.memref_squeeze %dma_wait3A_107 : memref<1x25x80xi32, #tpu.memory_space<hbm>> -> memref<25x80xi32, #tpu.memory_space<hbm>>
      tpu.wait_dma2 semaphore(%run_scoped3A_76 : memref<!tpu.dma_semaphore, #tpu.memory_space<semaphore_mem>>) src(%dma_wait3A_108 : memref<25x80xi32, #tpu.memory_space<hbm>>) dst(%dma_wait3A_104 : memref<25x80xi32, #tpu.memory_space<vmem>>)
      tpu.yield
    }) : () -> ()
    %dma_start3A = arith.constant 0 : i32
    %dma_start3A_12 = arith.constant 0 : i32
    %dma_start3A_13 = arith.constant 0 : i32
    %dma_start3A_14 = arith.constant 0 : i32
    %dma_start3A_15 = arith.constant 0 : i32
    %dma_start3A_16 = tpu.memref_slice %arg12[%dma_start3A_13, %dma_start3A_14, %dma_start3A_15] : memref<3x80x128xf32, #tpu.memory_space<vmem>> -> memref<1x80x128xf32, #tpu.memory_space<vmem>>
    %dma_start3A_17 = tpu.memref_squeeze %dma_start3A_16 : memref<1x80x128xf32, #tpu.memory_space<vmem>> -> memref<80x128xf32, #tpu.memory_space<vmem>>
    %dma_start3A_18 = arith.constant 0 : i32
    %dma_start3A_19 = tpu.memref_slice %arg10[%dma_start3A, %dma_start3A_12, %dma_start3A_18] : memref<2x25x80xi32, #tpu.memory_space<vmem>> -> memref<1x1x80xi32, #tpu.memory_space<vmem>>
    %dma_start3A_20 = tpu.memref_squeeze %dma_start3A_19 : memref<1x1x80xi32, #tpu.memory_space<vmem>> -> memref<80xi32, #tpu.memory_space<vmem>>
    %dma_start3A_21 = arith.constant 0 : i32
    %dma_start3A_22 = arith.constant 0 : i32
    %dma_start3A_23 = tpu.memref_slice %arg2[%dma_start3A_21, %dma_start3A_22] : memref<10000x128xf32, #tpu.memory_space<hbm>> -> memref<10000x128xf32, #tpu.memory_space<hbm>>
    tpu.enqueue_indirect_dma source(%dma_start3A_23 : memref<10000x128xf32, #tpu.memory_space<hbm>>) target(%dma_start3A_17 : memref<80x128xf32, #tpu.memory_space<vmem>>) offsets(%dma_start3A_20 : memref<80xi32, #tpu.memory_space<vmem>>) semaphore(%arg14 : memref<!tpu.dma_semaphore, #tpu.memory_space<semaphore_mem>>)
    %dma_start3A_24 = arith.constant 0 : i32
    %dma_start3A_25 = arith.constant 1 : i32
    %dma_start3A_26 = arith.constant 1 : i32
    %dma_start3A_27 = arith.constant 0 : i32
    %dma_start3A_28 = arith.constant 0 : i32
    %dma_start3A_29 = tpu.memref_slice %arg12[%dma_start3A_26, %dma_start3A_27, %dma_start3A_28] : memref<3x80x128xf32, #tpu.memory_space<vmem>> -> memref<1x80x128xf32, #tpu.memory_space<vmem>>
    %dma_start3A_30 = tpu.memref_squeeze %dma_start3A_29 : memref<1x80x128xf32, #tpu.memory_space<vmem>> -> memref<80x128xf32, #tpu.memory_space<vmem>>
    %dma_start3A_31 = arith.constant 0 : i32
    %dma_start3A_32 = tpu.memref_slice %arg10[%dma_start3A_24, %dma_start3A_25, %dma_start3A_31] : memref<2x25x80xi32, #tpu.memory_space<vmem>> -> memref<1x1x80xi32, #tpu.memory_space<vmem>>
    %dma_start3A_33 = tpu.memref_squeeze %dma_start3A_32 : memref<1x1x80xi32, #tpu.memory_space<vmem>> -> memref<80xi32, #tpu.memory_space<vmem>>
    %dma_start3A_34 = arith.constant 0 : i32
    %dma_start3A_35 = arith.constant 0 : i32
    %dma_start3A_36 = tpu.memref_slice %arg2[%dma_start3A_34, %dma_start3A_35] : memref<10000x128xf32, #tpu.memory_space<hbm>> -> memref<10000x128xf32, #tpu.memory_space<hbm>>
    tpu.enqueue_indirect_dma source(%dma_start3A_36 : memref<10000x128xf32, #tpu.memory_space<hbm>>) target(%dma_start3A_30 : memref<80x128xf32, #tpu.memory_space<vmem>>) offsets(%dma_start3A_33 : memref<80xi32, #tpu.memory_space<vmem>>) semaphore(%arg14 : memref<!tpu.dma_semaphore, #tpu.memory_space<semaphore_mem>>)
    %barrier3A = arith.constant 0 : index
    tpu.barrier barrier_id(%barrier3A)
    %scan3A = arith.constant 0 : i32
    %scan3A_37 = arith.constant 0 : i32
    %scan3A_38 = arith.constant 125 : i32
    %scan3A_39 = arith.addi %scan3A_37, %scan3A_38 : i32
    %scan3A_40 = arith.constant 1 : i32
    scf.for %scan3A_76 = %scan3A_37 to %scan3A_39 step %scan3A_40  : i32 {
      %rem3A = arith.constant 25 : i32
      %rem3A_77 = arith.remsi %scan3A_76, %rem3A : i32
      %div3A = arith.constant 25 : i32
      %div3A_78 = arith.divsi %scan3A_76, %div3A : i32
      %rem3A_79 = arith.constant 2 : i32
      %rem3A_80 = arith.remsi %div3A_78, %rem3A_79 : i32
      %rem3A_81 = arith.constant 3 : i32
      %rem3A_82 = arith.remsi %scan3A_76, %rem3A_81 : i32
      %dma_wait3A_83 = arith.constant 0 : i32
      %dma_wait3A_84 = arith.constant 0 : i32
      %dma_wait3A_85 = tpu.memref_slice %arg12[%rem3A_82, %dma_wait3A_83, %dma_wait3A_84] : memref<3x80x128xf32, #tpu.memory_space<vmem>> -> memref<1x80x128xf32, #tpu.memory_space<vmem>>
      %dma_wait3A_86 = tpu.memref_squeeze %dma_wait3A_85 : memref<1x80x128xf32, #tpu.memory_space<vmem>> -> memref<80x128xf32, #tpu.memory_space<vmem>>
      %dma_wait3A_87 = arith.constant 0 : i32
      %dma_wait3A_88 = tpu.memref_slice %arg10[%rem3A_80, %rem3A_77, %dma_wait3A_87] : memref<2x25x80xi32, #tpu.memory_space<vmem>> -> memref<1x1x80xi32, #tpu.memory_space<vmem>>
      %dma_wait3A_89 = tpu.memref_squeeze %dma_wait3A_88 : memref<1x1x80xi32, #tpu.memory_space<vmem>> -> memref<80xi32, #tpu.memory_space<vmem>>
      %dma_wait3A_90 = arith.constant 0 : i32
      %dma_wait3A_91 = arith.constant 0 : i32
      %dma_wait3A_92 = tpu.memref_slice %arg2[%dma_wait3A_90, %dma_wait3A_91] : memref<10000x128xf32, #tpu.memory_space<hbm>> -> memref<10000x128xf32, #tpu.memory_space<hbm>>
      tpu.wait_indirect_dma semaphore(%arg14 : memref<!tpu.dma_semaphore, #tpu.memory_space<semaphore_mem>>) src(%dma_wait3A_92 : memref<10000x128xf32, #tpu.memory_space<hbm>>) dst(%dma_wait3A_86 : memref<80x128xf32, #tpu.memory_space<vmem>>)
      %dma_start3A_93 = arith.constant 0 : i32
      %dma_start3A_94 = arith.constant 0 : i32
      %dma_start3A_95 = tpu.memref_slice %arg12[%rem3A_82, %dma_start3A_93, %dma_start3A_94] : memref<3x80x128xf32, #tpu.memory_space<vmem>> -> memref<1x80x128xf32, #tpu.memory_space<vmem>>
      %dma_start3A_96 = tpu.memref_squeeze %dma_start3A_95 : memref<1x80x128xf32, #tpu.memory_space<vmem>> -> memref<80x128xf32, #tpu.memory_space<vmem>>
      %dma_start3A_97 = arith.constant 0 : i32
      %dma_start3A_98 = tpu.memref_slice %arg11[%rem3A_80, %rem3A_77, %dma_start3A_97] : memref<2x25x80xi32, #tpu.memory_space<vmem>> -> memref<1x1x80xi32, #tpu.memory_space<vmem>>
      %dma_start3A_99 = tpu.memref_squeeze %dma_start3A_98 : memref<1x1x80xi32, #tpu.memory_space<vmem>> -> memref<80xi32, #tpu.memory_space<vmem>>
      %dma_start3A_100 = arith.constant 0 : i32
      %dma_start3A_101 = arith.constant 0 : i32
      %dma_start3A_102 = tpu.memref_slice %arg13[%dma_start3A_100, %dma_start3A_101] : memref<10000x128xf32, #tpu.memory_space<vmem_shared>> -> memref<10000x128xf32, #tpu.memory_space<vmem_shared>>
      tpu.enqueue_indirect_dma source(%dma_start3A_96 : memref<80x128xf32, #tpu.memory_space<vmem>>) target(%dma_start3A_102 : memref<10000x128xf32, #tpu.memory_space<vmem_shared>>) offsets(%dma_start3A_99 : memref<80xi32, #tpu.memory_space<vmem>>) semaphore(%arg15 : memref<!tpu.dma_semaphore, #tpu.memory_space<semaphore_mem>>) {add = true}
      %dma_start3A_103 = arith.constant 0 : i32
      %dma_start3A_104 = tpu.memref_slice %arg11[%rem3A_80, %rem3A_77, %dma_start3A_103] : memref<2x25x80xi32, #tpu.memory_space<vmem>> -> memref<1x1x80xi32, #tpu.memory_space<vmem>>
      %dma_start3A_105 = tpu.memref_squeeze %dma_start3A_104 : memref<1x1x80xi32, #tpu.memory_space<vmem>> -> memref<80xi32, #tpu.memory_space<vmem>>
      %dma_start3A_106 = arith.constant 0 : i32
      %dma_start3A_107 = arith.constant 0 : i32
      %dma_start3A_108 = tpu.memref_slice %arg18[%dma_start3A_106, %dma_start3A_107] : memref<10000x16xf32, #tpu.memory_space<vmem_shared>> -> memref<10000x16xf32, #tpu.memory_space<vmem_shared>>
      tpu.enqueue_indirect_dma source(%arg17 : memref<80x16xf32, #tpu.memory_space<vmem>>) target(%dma_start3A_108 : memref<10000x16xf32, #tpu.memory_space<vmem_shared>>) offsets(%dma_start3A_105 : memref<80xi32, #tpu.memory_space<vmem>>) semaphore(%arg19 : memref<!tpu.dma_semaphore, #tpu.memory_space<semaphore_mem>>) {add = true}
      %ge3A = arith.constant 1 : i32
      %ge3A_109 = arith.cmpi sge, %scan3A_76, %ge3A : i32
      %convert_element_type3A_110 = arith.extui %ge3A_109 : i1 to i32
      %cond3A_111 = arith.constant 0 : i32
      %cond3A_112 = arith.cmpi ne, %convert_element_type3A_110, %cond3A_111 : i32
      scf.if %cond3A_112 {
        %dma_wait3A_138 = arith.constant 0 : i32
        %dma_wait3A_139 = arith.constant 0 : i32
        %dma_wait3A_140 = tpu.memref_slice %arg12[%rem3A_82, %dma_wait3A_138, %dma_wait3A_139] : memref<3x80x128xf32, #tpu.memory_space<vmem>> -> memref<1x80x128xf32, #tpu.memory_space<vmem>>
        %dma_wait3A_141 = tpu.memref_squeeze %dma_wait3A_140 : memref<1x80x128xf32, #tpu.memory_space<vmem>> -> memref<80x128xf32, #tpu.memory_space<vmem>>
        %dma_wait3A_142 = arith.constant 0 : i32
        %dma_wait3A_143 = tpu.memref_slice %arg11[%rem3A_80, %rem3A_77, %dma_wait3A_142] : memref<2x25x80xi32, #tpu.memory_space<vmem>> -> memref<1x1x80xi32, #tpu.memory_space<vmem>>
        %dma_wait3A_144 = tpu.memref_squeeze %dma_wait3A_143 : memref<1x1x80xi32, #tpu.memory_space<vmem>> -> memref<80xi32, #tpu.memory_space<vmem>>
        %dma_wait3A_145 = arith.constant 0 : i32
        %dma_wait3A_146 = arith.constant 0 : i32
        %dma_wait3A_147 = tpu.memref_slice %arg13[%dma_wait3A_145, %dma_wait3A_146] : memref<10000x128xf32, #tpu.memory_space<vmem_shared>> -> memref<10000x128xf32, #tpu.memory_space<vmem_shared>>
        tpu.wait_indirect_dma semaphore(%arg15 : memref<!tpu.dma_semaphore, #tpu.memory_space<semaphore_mem>>) src(%dma_wait3A_141 : memref<80x128xf32, #tpu.memory_space<vmem>>) dst(%dma_wait3A_147 : memref<10000x128xf32, #tpu.memory_space<vmem_shared>>)
        %dma_wait3A_148 = arith.constant 0 : i32
        %dma_wait3A_149 = tpu.memref_slice %arg11[%rem3A_80, %rem3A_77, %dma_wait3A_148] : memref<2x25x80xi32, #tpu.memory_space<vmem>> -> memref<1x1x80xi32, #tpu.memory_space<vmem>>
        %dma_wait3A_150 = tpu.memref_squeeze %dma_wait3A_149 : memref<1x1x80xi32, #tpu.memory_space<vmem>> -> memref<80xi32, #tpu.memory_space<vmem>>
        %dma_wait3A_151 = arith.constant 0 : i32
        %dma_wait3A_152 = arith.constant 0 : i32
        %dma_wait3A_153 = tpu.memref_slice %arg18[%dma_wait3A_151, %dma_wait3A_152] : memref<10000x16xf32, #tpu.memory_space<vmem_shared>> -> memref<10000x16xf32, #tpu.memory_space<vmem_shared>>
        tpu.wait_indirect_dma semaphore(%arg19 : memref<!tpu.dma_semaphore, #tpu.memory_space<semaphore_mem>>) src(%arg17 : memref<80x16xf32, #tpu.memory_space<vmem>>) dst(%dma_wait3A_153 : memref<10000x16xf32, #tpu.memory_space<vmem_shared>>)
      } else {
      }
      %eq3A_113 = arith.constant 0 : i32
      %eq3A_114 = arith.cmpi eq, %rem3A_77, %eq3A_113 : i32
      %add3A_115 = arith.constant 25 : i32
      %add3A_116 = arith.addi %scan3A_76, %add3A_115 : i32
      %lt3A = arith.constant 125 : i32
      %lt3A_117 = arith.cmpi slt, %add3A_116, %lt3A : i32
      %and3A = arith.andi %eq3A_114, %lt3A_117 : i1
      %convert_element_type3A_118 = arith.extui %and3A : i1 to i32
      %cond3A_119 = arith.constant 0 : i32
      %cond3A_120 = arith.cmpi ne, %convert_element_type3A_118, %cond3A_119 : i32
      scf.if %cond3A_120 {
        %sub3A = arith.constant 1 : i32
        %sub3A_138 = arith.subi %sub3A, %rem3A_80 : i32
        %add3A_139 = arith.constant 25 : i32
        %add3A_140 = arith.addi %scan3A_76, %add3A_139 : i32
        %dma_start3A_141 = arith.constant 0 : i32
        %dma_start3A_142 = arith.constant 0 : i32
        %dma_start3A_143 = tpu.memref_slice %arg10[%sub3A_138, %dma_start3A_141, %dma_start3A_142] : memref<2x25x80xi32, #tpu.memory_space<vmem>> -> memref<1x25x80xi32, #tpu.memory_space<vmem>>
        %dma_start3A_144 = tpu.memref_squeeze %dma_start3A_143 : memref<1x25x80xi32, #tpu.memory_space<vmem>> -> memref<25x80xi32, #tpu.memory_space<vmem>>
        %dma_start3A_145 = arith.constant 0 : i32
        %dma_start3A_146 = tpu.memref_slice %arg3[%add3A, %add3A_140, %dma_start3A_145] : memref<32x125x80xi32, #tpu.memory_space<hbm>> -> memref<1x25x80xi32, #tpu.memory_space<hbm>>
        %dma_start3A_147 = tpu.memref_squeeze %dma_start3A_146 : memref<1x25x80xi32, #tpu.memory_space<hbm>> -> memref<25x80xi32, #tpu.memory_space<hbm>>
        %dma_start3A_148 = arith.constant 0 : i32
        %dma_start3A_149 = arith.constant 0 : i32
        %dma_start3A_150 = tpu.memref_slice %arg10[%sub3A_138, %dma_start3A_148, %dma_start3A_149] : memref<2x25x80xi32, #tpu.memory_space<vmem>> -> memref<1x25x80xi32, #tpu.memory_space<vmem>>
        %dma_start3A_151 = tpu.memref_squeeze %dma_start3A_150 : memref<1x25x80xi32, #tpu.memory_space<vmem>> -> memref<25x80xi32, #tpu.memory_space<vmem>>
        %dma_start3A_152 = arith.constant 0 : i32
        %dma_start3A_153 = tpu.memref_slice %arg3[%add3A, %add3A_140, %dma_start3A_152] : memref<32x125x80xi32, #tpu.memory_space<hbm>> -> memref<1x25x80xi32, #tpu.memory_space<hbm>>
        %dma_start3A_154 = tpu.memref_squeeze %dma_start3A_153 : memref<1x25x80xi32, #tpu.memory_space<hbm>> -> memref<25x80xi32, #tpu.memory_space<hbm>>
        tpu.enqueue_dma source(%dma_start3A_154 : memref<25x80xi32, #tpu.memory_space<hbm>>) target(%dma_start3A_151 : memref<25x80xi32, #tpu.memory_space<vmem>>) target_semaphore(%arg16 : memref<!tpu.dma_semaphore, #tpu.memory_space<semaphore_mem>>)
        %add3A_155 = arith.constant 25 : i32
        %add3A_156 = arith.addi %scan3A_76, %add3A_155 : i32
        %dma_start3A_157 = arith.constant 0 : i32
        %dma_start3A_158 = arith.constant 0 : i32
        %dma_start3A_159 = tpu.memref_slice %arg11[%sub3A_138, %dma_start3A_157, %dma_start3A_158] : memref<2x25x80xi32, #tpu.memory_space<vmem>> -> memref<1x25x80xi32, #tpu.memory_space<vmem>>
        %dma_start3A_160 = tpu.memref_squeeze %dma_start3A_159 : memref<1x25x80xi32, #tpu.memory_space<vmem>> -> memref<25x80xi32, #tpu.memory_space<vmem>>
        %dma_start3A_161 = arith.constant 0 : i32
        %dma_start3A_162 = tpu.memref_slice %arg4[%add3A, %add3A_156, %dma_start3A_161] : memref<32x125x80xi32, #tpu.memory_space<hbm>> -> memref<1x25x80xi32, #tpu.memory_space<hbm>>
        %dma_start3A_163 = tpu.memref_squeeze %dma_start3A_162 : memref<1x25x80xi32, #tpu.memory_space<hbm>> -> memref<25x80xi32, #tpu.memory_space<hbm>>
        %dma_start3A_164 = arith.constant 0 : i32
        %dma_start3A_165 = arith.constant 0 : i32
        %dma_start3A_166 = tpu.memref_slice %arg11[%sub3A_138, %dma_start3A_164, %dma_start3A_165] : memref<2x25x80xi32, #tpu.memory_space<vmem>> -> memref<1x25x80xi32, #tpu.memory_space<vmem>>
        %dma_start3A_167 = tpu.memref_squeeze %dma_start3A_166 : memref<1x25x80xi32, #tpu.memory_space<vmem>> -> memref<25x80xi32, #tpu.memory_space<vmem>>
        %dma_start3A_168 = arith.constant 0 : i32
        %dma_start3A_169 = tpu.memref_slice %arg4[%add3A, %add3A_156, %dma_start3A_168] : memref<32x125x80xi32, #tpu.memory_space<hbm>> -> memref<1x25x80xi32, #tpu.memory_space<hbm>>
        %dma_start3A_170 = tpu.memref_squeeze %dma_start3A_169 : memref<1x25x80xi32, #tpu.memory_space<hbm>> -> memref<25x80xi32, #tpu.memory_space<hbm>>
        tpu.enqueue_dma source(%dma_start3A_170 : memref<25x80xi32, #tpu.memory_space<hbm>>) target(%dma_start3A_167 : memref<25x80xi32, #tpu.memory_space<vmem>>) target_semaphore(%arg16 : memref<!tpu.dma_semaphore, #tpu.memory_space<semaphore_mem>>)
      } else {
      }
      %eq3A_121 = arith.constant 23 : i32
      %eq3A_122 = arith.cmpi eq, %rem3A_77, %eq3A_121 : i32
      %add3A_123 = arith.constant 2 : i32
      %add3A_124 = arith.addi %scan3A_76, %add3A_123 : i32
      %lt3A_125 = arith.constant 125 : i32
      %lt3A_126 = arith.cmpi slt, %add3A_124, %lt3A_125 : i32
      %and3A_127 = arith.andi %eq3A_122, %lt3A_126 : i1
      %convert_element_type3A_128 = arith.extui %and3A_127 : i1 to i32
      %cond3A_129 = arith.constant 0 : i32
      %cond3A_130 = arith.cmpi ne, %convert_element_type3A_128, %cond3A_129 : i32
      scf.if %cond3A_130 {
        %dma_wait3A_138 = arith.constant 0 : i32
        %dma_wait3A_139 = arith.constant 0 : i32
        %dma_wait3A_140 = arith.constant 0 : i32
        %dma_wait3A_141 = tpu.memref_slice %arg10[%dma_wait3A_138, %dma_wait3A_139, %dma_wait3A_140] : memref<2x25x80xi32, #tpu.memory_space<vmem>> -> memref<1x25x80xi32, #tpu.memory_space<vmem>>
        %dma_wait3A_142 = tpu.memref_squeeze %dma_wait3A_141 : memref<1x25x80xi32, #tpu.memory_space<vmem>> -> memref<25x80xi32, #tpu.memory_space<vmem>>
        %dma_wait3A_143 = arith.constant 0 : i32
        %dma_wait3A_144 = arith.constant 0 : i32
        %dma_wait3A_145 = tpu.memref_slice %arg3[%add3A, %dma_wait3A_143, %dma_wait3A_144] : memref<32x125x80xi32, #tpu.memory_space<hbm>> -> memref<1x25x80xi32, #tpu.memory_space<hbm>>
        %dma_wait3A_146 = tpu.memref_squeeze %dma_wait3A_145 : memref<1x25x80xi32, #tpu.memory_space<hbm>> -> memref<25x80xi32, #tpu.memory_space<hbm>>
        %dma_wait3A_147 = arith.constant 0 : i32
        %dma_wait3A_148 = arith.constant 0 : i32
        %dma_wait3A_149 = tpu.memref_slice %arg10[%dma_wait3A_138, %dma_wait3A_147, %dma_wait3A_148] : memref<2x25x80xi32, #tpu.memory_space<vmem>> -> memref<1x25x80xi32, #tpu.memory_space<vmem>>
        %dma_wait3A_150 = tpu.memref_squeeze %dma_wait3A_149 : memref<1x25x80xi32, #tpu.memory_space<vmem>> -> memref<25x80xi32, #tpu.memory_space<vmem>>
        %dma_wait3A_151 = arith.constant 0 : i32
        %dma_wait3A_152 = arith.constant 0 : i32
        %dma_wait3A_153 = tpu.memref_slice %arg3[%add3A, %dma_wait3A_151, %dma_wait3A_152] : memref<32x125x80xi32, #tpu.memory_space<hbm>> -> memref<1x25x80xi32, #tpu.memory_space<hbm>>
        %dma_wait3A_154 = tpu.memref_squeeze %dma_wait3A_153 : memref<1x25x80xi32, #tpu.memory_space<hbm>> -> memref<25x80xi32, #tpu.memory_space<hbm>>
        tpu.wait_dma2 semaphore(%arg16 : memref<!tpu.dma_semaphore, #tpu.memory_space<semaphore_mem>>) src(%dma_wait3A_154 : memref<25x80xi32, #tpu.memory_space<hbm>>) dst(%dma_wait3A_150 : memref<25x80xi32, #tpu.memory_space<vmem>>)
        %dma_wait3A_155 = arith.constant 0 : i32
        %dma_wait3A_156 = arith.constant 0 : i32
        %dma_wait3A_157 = arith.constant 0 : i32
        %dma_wait3A_158 = tpu.memref_slice %arg11[%dma_wait3A_155, %dma_wait3A_156, %dma_wait3A_157] : memref<2x25x80xi32, #tpu.memory_space<vmem>> -> memref<1x25x80xi32, #tpu.memory_space<vmem>>
        %dma_wait3A_159 = tpu.memref_squeeze %dma_wait3A_158 : memref<1x25x80xi32, #tpu.memory_space<vmem>> -> memref<25x80xi32, #tpu.memory_space<vmem>>
        %dma_wait3A_160 = arith.constant 0 : i32
        %dma_wait3A_161 = arith.constant 0 : i32
        %dma_wait3A_162 = tpu.memref_slice %arg4[%add3A, %dma_wait3A_160, %dma_wait3A_161] : memref<32x125x80xi32, #tpu.memory_space<hbm>> -> memref<1x25x80xi32, #tpu.memory_space<hbm>>
        %dma_wait3A_163 = tpu.memref_squeeze %dma_wait3A_162 : memref<1x25x80xi32, #tpu.memory_space<hbm>> -> memref<25x80xi32, #tpu.memory_space<hbm>>
        %dma_wait3A_164 = arith.constant 0 : i32
        %dma_wait3A_165 = arith.constant 0 : i32
        %dma_wait3A_166 = tpu.memref_slice %arg11[%dma_wait3A_155, %dma_wait3A_164, %dma_wait3A_165] : memref<2x25x80xi32, #tpu.memory_space<vmem>> -> memref<1x25x80xi32, #tpu.memory_space<vmem>>
        %dma_wait3A_167 = tpu.memref_squeeze %dma_wait3A_166 : memref<1x25x80xi32, #tpu.memory_space<vmem>> -> memref<25x80xi32, #tpu.memory_space<vmem>>
        %dma_wait3A_168 = arith.constant 0 : i32
        %dma_wait3A_169 = arith.constant 0 : i32
        %dma_wait3A_170 = tpu.memref_slice %arg4[%add3A, %dma_wait3A_168, %dma_wait3A_169] : memref<32x125x80xi32, #tpu.memory_space<hbm>> -> memref<1x25x80xi32, #tpu.memory_space<hbm>>
        %dma_wait3A_171 = tpu.memref_squeeze %dma_wait3A_170 : memref<1x25x80xi32, #tpu.memory_space<hbm>> -> memref<25x80xi32, #tpu.memory_space<hbm>>
        tpu.wait_dma2 semaphore(%arg16 : memref<!tpu.dma_semaphore, #tpu.memory_space<semaphore_mem>>) src(%dma_wait3A_171 : memref<25x80xi32, #tpu.memory_space<hbm>>) dst(%dma_wait3A_167 : memref<25x80xi32, #tpu.memory_space<vmem>>)
      } else {
      }
      %add3A_131 = arith.constant 2 : i32
      %add3A_132 = arith.addi %scan3A_76, %add3A_131 : i32
      %lt3A_133 = arith.constant 125 : i32
      %lt3A_134 = arith.cmpi slt, %add3A_132, %lt3A_133 : i32
      %convert_element_type3A_135 = arith.extui %lt3A_134 : i1 to i32
      %cond3A_136 = arith.constant 0 : i32
      %cond3A_137 = arith.cmpi ne, %convert_element_type3A_135, %cond3A_136 : i32
      scf.if %cond3A_137 {
        %add3A_138 = arith.constant 2 : i32
        %add3A_139 = arith.addi %scan3A_76, %add3A_138 : i32
        %rem3A_140 = arith.constant 25 : i32
        %rem3A_141 = arith.remsi %add3A_139, %rem3A_140 : i32
        %div3A_142 = arith.constant 25 : i32
        %div3A_143 = arith.divsi %add3A_139, %div3A_142 : i32
        %rem3A_144 = arith.constant 2 : i32
        %rem3A_145 = arith.remsi %div3A_143, %rem3A_144 : i32
        %rem3A_146 = arith.constant 3 : i32
        %rem3A_147 = arith.remsi %add3A_139, %rem3A_146 : i32
        %dma_start3A_148 = arith.constant 0 : i32
        %dma_start3A_149 = arith.constant 0 : i32
        %dma_start3A_150 = tpu.memref_slice %arg12[%rem3A_147, %dma_start3A_148, %dma_start3A_149] : memref<3x80x128xf32, #tpu.memory_space<vmem>> -> memref<1x80x128xf32, #tpu.memory_space<vmem>>
        %dma_start3A_151 = tpu.memref_squeeze %dma_start3A_150 : memref<1x80x128xf32, #tpu.memory_space<vmem>> -> memref<80x128xf32, #tpu.memory_space<vmem>>
        %dma_start3A_152 = arith.constant 0 : i32
        %dma_start3A_153 = tpu.memref_slice %arg10[%rem3A_145, %rem3A_141, %dma_start3A_152] : memref<2x25x80xi32, #tpu.memory_space<vmem>> -> memref<1x1x80xi32, #tpu.memory_space<vmem>>
        %dma_start3A_154 = tpu.memref_squeeze %dma_start3A_153 : memref<1x1x80xi32, #tpu.memory_space<vmem>> -> memref<80xi32, #tpu.memory_space<vmem>>
        %dma_start3A_155 = arith.constant 0 : i32
        %dma_start3A_156 = arith.constant 0 : i32
        %dma_start3A_157 = tpu.memref_slice %arg2[%dma_start3A_155, %dma_start3A_156] : memref<10000x128xf32, #tpu.memory_space<hbm>> -> memref<10000x128xf32, #tpu.memory_space<hbm>>
        tpu.enqueue_indirect_dma source(%dma_start3A_157 : memref<10000x128xf32, #tpu.memory_space<hbm>>) target(%dma_start3A_151 : memref<80x128xf32, #tpu.memory_space<vmem>>) offsets(%dma_start3A_154 : memref<80xi32, #tpu.memory_space<vmem>>) semaphore(%arg14 : memref<!tpu.dma_semaphore, #tpu.memory_space<semaphore_mem>>)
      } else {
      }
    }
    %scan3A_41 = arith.constant 125 : i32
    %dma_wait3A = arith.constant 0 : i32
    %dma_wait3A_42 = arith.constant 0 : i32
    %dma_wait3A_43 = arith.constant 0 : i32
    %dma_wait3A_44 = arith.constant 0 : i32
    %dma_wait3A_45 = arith.constant 0 : i32
    %dma_wait3A_46 = tpu.memref_slice %arg12[%dma_wait3A, %dma_wait3A_44, %dma_wait3A_45] : memref<3x80x128xf32, #tpu.memory_space<vmem>> -> memref<1x80x128xf32, #tpu.memory_space<vmem>>
    %dma_wait3A_47 = tpu.memref_squeeze %dma_wait3A_46 : memref<1x80x128xf32, #tpu.memory_space<vmem>> -> memref<80x128xf32, #tpu.memory_space<vmem>>
    %dma_wait3A_48 = arith.constant 0 : i32
    %dma_wait3A_49 = tpu.memref_slice %arg11[%dma_wait3A_42, %dma_wait3A_43, %dma_wait3A_48] : memref<2x25x80xi32, #tpu.memory_space<vmem>> -> memref<1x1x80xi32, #tpu.memory_space<vmem>>
    %dma_wait3A_50 = tpu.memref_squeeze %dma_wait3A_49 : memref<1x1x80xi32, #tpu.memory_space<vmem>> -> memref<80xi32, #tpu.memory_space<vmem>>
    %dma_wait3A_51 = arith.constant 0 : i32
    %dma_wait3A_52 = arith.constant 0 : i32
    %dma_wait3A_53 = tpu.memref_slice %arg13[%dma_wait3A_51, %dma_wait3A_52] : memref<10000x128xf32, #tpu.memory_space<vmem_shared>> -> memref<10000x128xf32, #tpu.memory_space<vmem_shared>>
    tpu.wait_indirect_dma semaphore(%arg15 : memref<!tpu.dma_semaphore, #tpu.memory_space<semaphore_mem>>) src(%dma_wait3A_47 : memref<80x128xf32, #tpu.memory_space<vmem>>) dst(%dma_wait3A_53 : memref<10000x128xf32, #tpu.memory_space<vmem_shared>>)
    %dma_wait3A_54 = arith.constant 0 : i32
    %dma_wait3A_55 = arith.constant 0 : i32
    %dma_wait3A_56 = arith.constant 0 : i32
    %dma_wait3A_57 = tpu.memref_slice %arg11[%dma_wait3A_54, %dma_wait3A_55, %dma_wait3A_56] : memref<2x25x80xi32, #tpu.memory_space<vmem>> -> memref<1x1x80xi32, #tpu.memory_space<vmem>>
    %dma_wait3A_58 = tpu.memref_squeeze %dma_wait3A_57 : memref<1x1x80xi32, #tpu.memory_space<vmem>> -> memref<80xi32, #tpu.memory_space<vmem>>
    %dma_wait3A_59 = arith.constant 0 : i32
    %dma_wait3A_60 = arith.constant 0 : i32
    %dma_wait3A_61 = tpu.memref_slice %arg18[%dma_wait3A_59, %dma_wait3A_60] : memref<10000x16xf32, #tpu.memory_space<vmem_shared>> -> memref<10000x16xf32, #tpu.memory_space<vmem_shared>>
    tpu.wait_indirect_dma semaphore(%arg19 : memref<!tpu.dma_semaphore, #tpu.memory_space<semaphore_mem>>) src(%arg17 : memref<80x16xf32, #tpu.memory_space<vmem>>) dst(%dma_wait3A_61 : memref<10000x16xf32, #tpu.memory_space<vmem_shared>>)
    %barrier3A_62 = arith.constant 0 : index
    tpu.barrier barrier_id(%barrier3A_62)
    %mul3A_63 = arith.constant 624 : i32
    %mul3A_64 = arith.muli %arg1, %mul3A_63 : i32
    %mul3A_65 = arith.constant 624 : i32
    %mul3A_66 = arith.muli %arg1, %mul3A_65 : i32
    "tpu.region"() ({
      %run_scoped3A_76 = tpu.sem_alloc : memref<!tpu.dma_semaphore, #tpu.memory_space<semaphore_mem>>
      %dma_start3A_77 = arith.constant 0 : i32
      %dma_start3A_78 = tpu.memref_slice %arg8[%arg0, %mul3A_66, %dma_start3A_77] : memref<2x10000x128xf32, #tpu.memory_space<hbm>> -> memref<1x624x128xf32, #tpu.memory_space<hbm>>
      %dma_start3A_79 = tpu.memref_squeeze %dma_start3A_78 : memref<1x624x128xf32, #tpu.memory_space<hbm>> -> memref<624x128xf32, #tpu.memory_space<hbm>>
      %dma_start3A_80 = arith.constant 0 : i32
      %dma_start3A_81 = tpu.memref_slice %arg13[%mul3A_64, %dma_start3A_80] : memref<10000x128xf32, #tpu.memory_space<vmem_shared>> -> memref<624x128xf32, #tpu.memory_space<vmem_shared>>
      tpu.enqueue_dma source(%dma_start3A_81 : memref<624x128xf32, #tpu.memory_space<vmem_shared>>) target(%dma_start3A_79 : memref<624x128xf32, #tpu.memory_space<hbm>>) target_semaphore(%run_scoped3A_76 : memref<!tpu.dma_semaphore, #tpu.memory_space<semaphore_mem>>)
      %dma_wait3A_82 = arith.constant 0 : i32
      %dma_wait3A_83 = tpu.memref_slice %arg8[%arg0, %mul3A_66, %dma_wait3A_82] : memref<2x10000x128xf32, #tpu.memory_space<hbm>> -> memref<1x624x128xf32, #tpu.memory_space<hbm>>
      %dma_wait3A_84 = tpu.memref_squeeze %dma_wait3A_83 : memref<1x624x128xf32, #tpu.memory_space<hbm>> -> memref<624x128xf32, #tpu.memory_space<hbm>>
      %dma_wait3A_85 = arith.constant 0 : i32
      %dma_wait3A_86 = tpu.memref_slice %arg13[%mul3A_64, %dma_wait3A_85] : memref<10000x128xf32, #tpu.memory_space<vmem_shared>> -> memref<624x128xf32, #tpu.memory_space<vmem_shared>>
      tpu.wait_dma2 semaphore(%run_scoped3A_76 : memref<!tpu.dma_semaphore, #tpu.memory_space<semaphore_mem>>) src(%dma_wait3A_86 : memref<624x128xf32, #tpu.memory_space<vmem_shared>>) dst(%dma_wait3A_84 : memref<624x128xf32, #tpu.memory_space<hbm>>)
      tpu.yield
    }) : () -> ()
    %mul3A_67 = arith.constant 624 : i32
    %mul3A_68 = arith.muli %arg1, %mul3A_67 : i32
    %mul3A_69 = arith.constant 624 : i32
    %mul3A_70 = arith.muli %arg1, %mul3A_69 : i32
    "tpu.region"() ({
      %run_scoped3A_76 = tpu.sem_alloc : memref<!tpu.dma_semaphore, #tpu.memory_space<semaphore_mem>>
      %dma_start3A_77 = arith.constant 0 : i32
      %dma_start3A_78 = tpu.memref_slice %arg9[%arg0, %mul3A_70, %dma_start3A_77] : memref<2x10000x16xf32, #tpu.memory_space<hbm>> -> memref<1x624x16xf32, #tpu.memory_space<hbm>>
      %dma_start3A_79 = tpu.memref_squeeze %dma_start3A_78 : memref<1x624x16xf32, #tpu.memory_space<hbm>> -> memref<624x16xf32, #tpu.memory_space<hbm>>
      %dma_start3A_80 = arith.constant 0 : i32
      %dma_start3A_81 = tpu.memref_slice %arg18[%mul3A_68, %dma_start3A_80] : memref<10000x16xf32, #tpu.memory_space<vmem_shared>> -> memref<624x16xf32, #tpu.memory_space<vmem_shared>>
      tpu.enqueue_dma source(%dma_start3A_81 : memref<624x16xf32, #tpu.memory_space<vmem_shared>>) target(%dma_start3A_79 : memref<624x16xf32, #tpu.memory_space<hbm>>) target_semaphore(%run_scoped3A_76 : memref<!tpu.dma_semaphore, #tpu.memory_space<semaphore_mem>>)
      %dma_wait3A_82 = arith.constant 0 : i32
      %dma_wait3A_83 = tpu.memref_slice %arg9[%arg0, %mul3A_70, %dma_wait3A_82] : memref<2x10000x16xf32, #tpu.memory_space<hbm>> -> memref<1x624x16xf32, #tpu.memory_space<hbm>>
      %dma_wait3A_84 = tpu.memref_squeeze %dma_wait3A_83 : memref<1x624x16xf32, #tpu.memory_space<hbm>> -> memref<624x16xf32, #tpu.memory_space<hbm>>
      %dma_wait3A_85 = arith.constant 0 : i32
      %dma_wait3A_86 = tpu.memref_slice %arg18[%mul3A_68, %dma_wait3A_85] : memref<10000x16xf32, #tpu.memory_space<vmem_shared>> -> memref<624x16xf32, #tpu.memory_space<vmem_shared>>
      tpu.wait_dma2 semaphore(%run_scoped3A_76 : memref<!tpu.dma_semaphore, #tpu.memory_space<semaphore_mem>>) src(%dma_wait3A_86 : memref<624x16xf32, #tpu.memory_space<vmem_shared>>) dst(%dma_wait3A_84 : memref<624x16xf32, #tpu.memory_space<hbm>>)
      tpu.yield
    }) : () -> ()
    %eq3A_71 = arith.constant 0 : i32
    %eq3A_72 = arith.cmpi eq, %arg1, %eq3A_71 : i32
    %convert_element_type3A_73 = arith.extui %eq3A_72 : i1 to i32
    %cond3A_74 = arith.constant 0 : i32
    %cond3A_75 = arith.cmpi ne, %convert_element_type3A_73, %cond3A_74 : i32
    scf.if %cond3A_75 {
      "tpu.region"() ({
        %run_scoped3A_76 = tpu.sem_alloc : memref<!tpu.dma_semaphore, #tpu.memory_space<semaphore_mem>>
        %dma_start3A_77 = arith.constant 9984 : i32
        %dma_start3A_78 = arith.constant 0 : i32
        %dma_start3A_79 = tpu.memref_slice %arg8[%arg0, %dma_start3A_77, %dma_start3A_78] : memref<2x10000x128xf32, #tpu.memory_space<hbm>> -> memref<1x16x128xf32, #tpu.memory_space<hbm>>
        %dma_start3A_80 = tpu.memref_squeeze %dma_start3A_79 : memref<1x16x128xf32, #tpu.memory_space<hbm>> -> memref<16x128xf32, #tpu.memory_space<hbm>>
        %dma_start3A_81 = arith.constant 9984 : i32
        %dma_start3A_82 = arith.constant 0 : i32
        %dma_start3A_83 = tpu.memref_slice %arg13[%dma_start3A_81, %dma_start3A_82] : memref<10000x128xf32, #tpu.memory_space<vmem_shared>> -> memref<16x128xf32, #tpu.memory_space<vmem_shared>>
        tpu.enqueue_dma source(%dma_start3A_83 : memref<16x128xf32, #tpu.memory_space<vmem_shared>>) target(%dma_start3A_80 : memref<16x128xf32, #tpu.memory_space<hbm>>) target_semaphore(%run_scoped3A_76 : memref<!tpu.dma_semaphore, #tpu.memory_space<semaphore_mem>>)
        %dma_wait3A_84 = arith.constant 9984 : i32
        %dma_wait3A_85 = arith.constant 0 : i32
        %dma_wait3A_86 = tpu.memref_slice %arg8[%arg0, %dma_wait3A_84, %dma_wait3A_85] : memref<2x10000x128xf32, #tpu.memory_space<hbm>> -> memref<1x16x128xf32, #tpu.memory_space<hbm>>
        %dma_wait3A_87 = tpu.memref_squeeze %dma_wait3A_86 : memref<1x16x128xf32, #tpu.memory_space<hbm>> -> memref<16x128xf32, #tpu.memory_space<hbm>>
        %dma_wait3A_88 = arith.constant 9984 : i32
        %dma_wait3A_89 = arith.constant 0 : i32
        %dma_wait3A_90 = tpu.memref_slice %arg13[%dma_wait3A_88, %dma_wait3A_89] : memref<10000x128xf32, #tpu.memory_space<vmem_shared>> -> memref<16x128xf32, #tpu.memory_space<vmem_shared>>
        tpu.wait_dma2 semaphore(%run_scoped3A_76 : memref<!tpu.dma_semaphore, #tpu.memory_space<semaphore_mem>>) src(%dma_wait3A_90 : memref<16x128xf32, #tpu.memory_space<vmem_shared>>) dst(%dma_wait3A_87 : memref<16x128xf32, #tpu.memory_space<hbm>>)
        tpu.yield
      }) : () -> ()
      "tpu.region"() ({
        %run_scoped3A_76 = tpu.sem_alloc : memref<!tpu.dma_semaphore, #tpu.memory_space<semaphore_mem>>
        %dma_start3A_77 = arith.constant 9984 : i32
        %dma_start3A_78 = arith.constant 0 : i32
        %dma_start3A_79 = tpu.memref_slice %arg9[%arg0, %dma_start3A_77, %dma_start3A_78] : memref<2x10000x16xf32, #tpu.memory_space<hbm>> -> memref<1x16x16xf32, #tpu.memory_space<hbm>>
        %dma_start3A_80 = tpu.memref_squeeze %dma_start3A_79 : memref<1x16x16xf32, #tpu.memory_space<hbm>> -> memref<16x16xf32, #tpu.memory_space<hbm>>
        %dma_start3A_81 = arith.constant 9984 : i32
        %dma_start3A_82 = arith.constant 0 : i32
        %dma_start3A_83 = tpu.memref_slice %arg18[%dma_start3A_81, %dma_start3A_82] : memref<10000x16xf32, #tpu.memory_space<vmem_shared>> -> memref<16x16xf32, #tpu.memory_space<vmem_shared>>
        tpu.enqueue_dma source(%dma_start3A_83 : memref<16x16xf32, #tpu.memory_space<vmem_shared>>) target(%dma_start3A_80 : memref<16x16xf32, #tpu.memory_space<hbm>>) target_semaphore(%run_scoped3A_76 : memref<!tpu.dma_semaphore, #tpu.memory_space<semaphore_mem>>)
        %dma_wait3A_84 = arith.constant 9984 : i32
        %dma_wait3A_85 = arith.constant 0 : i32
        %dma_wait3A_86 = tpu.memref_slice %arg9[%arg0, %dma_wait3A_84, %dma_wait3A_85] : memref<2x10000x16xf32, #tpu.memory_space<hbm>> -> memref<1x16x16xf32, #tpu.memory_space<hbm>>
        %dma_wait3A_87 = tpu.memref_squeeze %dma_wait3A_86 : memref<1x16x16xf32, #tpu.memory_space<hbm>> -> memref<16x16xf32, #tpu.memory_space<hbm>>
        %dma_wait3A_88 = arith.constant 9984 : i32
        %dma_wait3A_89 = arith.constant 0 : i32
        %dma_wait3A_90 = tpu.memref_slice %arg18[%dma_wait3A_88, %dma_wait3A_89] : memref<10000x16xf32, #tpu.memory_space<vmem_shared>> -> memref<16x16xf32, #tpu.memory_space<vmem_shared>>
        tpu.wait_dma2 semaphore(%run_scoped3A_76 : memref<!tpu.dma_semaphore, #tpu.memory_space<semaphore_mem>>) src(%dma_wait3A_90 : memref<16x16xf32, #tpu.memory_space<vmem_shared>>) dst(%dma_wait3A_87 : memref<16x16xf32, #tpu.memory_space<hbm>>)
        tpu.yield
      }) : () -> ()
    } else {
    }
    return
  }
}

module attributes {stable_mosaic.version = 14 : i64} {
  func.func @_dense1_body(%arg0: memref<2x10000x128xf32, #tpu.memory_space<vmem>>, %arg1: memref<2x10000x16xf32, #tpu.memory_space<vmem>>, %arg2: memref<10000x128xf32, #tpu.memory_space<vmem>>, %arg3: memref<128x128xf32, #tpu.memory_space<vmem>>, %arg4: memref<128xf32, #tpu.memory_space<vmem>>, %arg5: memref<128x128xf32, #tpu.memory_space<vmem>>, %arg6: memref<128xf32, #tpu.memory_space<vmem>>, %arg7: memref<128xf32, #tpu.memory_space<vmem>>, %arg8: memref<10000x128xf32, #tpu.memory_space<vmem>>, %arg9: memref<10000x1xf32, #tpu.memory_space<vmem>>) attributes {dimension_semantics = [], scalar_prefetch = 0 : i64, scratch_operands = 0 : i64, tpu.core_type = #tpu.core_type<tc>} {
    %get3A = arith.constant 0 : index
    %get3A_0 = arith.constant 0 : index
    %get3A_1 = arith.constant 0 : index
    %get3A_2 = vector.load %arg0[%get3A, %get3A_0, %get3A_1] : memref<2x10000x128xf32, #tpu.memory_space<vmem>>, vector<1x10000x128xf32>
    %get3A_3 = vector.shape_cast %get3A_2 : vector<1x10000x128xf32> to vector<10000x128xf32>
    %get3A_4 = arith.constant 1 : index
    %get3A_5 = arith.constant 0 : index
    %get3A_6 = arith.constant 0 : index
    %get3A_7 = vector.load %arg0[%get3A_4, %get3A_5, %get3A_6] : memref<2x10000x128xf32, #tpu.memory_space<vmem>>, vector<1x10000x128xf32>
    %get3A_8 = vector.shape_cast %get3A_7 : vector<1x10000x128xf32> to vector<10000x128xf32>
    %add3A = arith.addf %get3A_3, %get3A_8 : vector<10000x128xf32>
    %get3A_9 = arith.constant 0 : index
    %get3A_10 = arith.constant 0 : index
    %get3A_11 = arith.constant 0 : index
    %get3A_12 = vector.load %arg1[%get3A_9, %get3A_10, %get3A_11] : memref<2x10000x16xf32, #tpu.memory_space<vmem>>, vector<1x10000x1xf32>
    %get3A_13 = vector.shape_cast %get3A_12 : vector<1x10000x1xf32> to vector<10000x1xf32>
    %get3A_14 = arith.constant 1 : index
    %get3A_15 = arith.constant 0 : index
    %get3A_16 = arith.constant 0 : index
    %get3A_17 = vector.load %arg1[%get3A_14, %get3A_15, %get3A_16] : memref<2x10000x16xf32, #tpu.memory_space<vmem>>, vector<1x10000x1xf32>
    %get3A_18 = vector.shape_cast %get3A_17 : vector<1x10000x1xf32> to vector<10000x1xf32>
    %add3A_19 = arith.addf %get3A_13, %get3A_18 : vector<10000x1xf32>
    %max3A = arith.constant 1.000000e+00 : f32
    %max3A_20 = vector.broadcast %max3A : f32 to vector<10000x1xf32>
    %max3A_21 = arith.maximumf %add3A_19, %max3A_20 : vector<10000x1xf32>
    %div3A = vector.broadcast %max3A_21 : vector<10000x1xf32> to vector<10000x128xf32>
    %div3A_22 = arith.divf %add3A, %div3A : vector<10000x128xf32>
    %get3A_23 = arith.constant 0 : index
    %get3A_24 = arith.constant 0 : index
    %get3A_25 = vector.load %arg3[%get3A_23, %get3A_24] : memref<128x128xf32, #tpu.memory_space<vmem>>, vector<128x128xf32>
    %dot_general3A = arith.constant dense<0.000000e+00> : vector<10000x128xf32>
    %dot_general3A_26 = tpu.matmul %div3A_22, %get3A_25, %dot_general3A {dimension_numbers = #tpu.dot_dimension_numbers<[1], [1], [0], [0], [0, 0, 1, 0], [], []>, transpose_lhs_hint = false} : vector<10000x128xf32>, vector<128x128xf32>, vector<10000x128xf32> -> vector<10000x128xf32>
    %get3A_27 = arith.constant 0 : index
    %get3A_28 = arith.constant 0 : index
    %get3A_29 = vector.load %arg2[%get3A_27, %get3A_28] : memref<10000x128xf32, #tpu.memory_space<vmem>>, vector<10000x128xf32>
    %get3A_30 = arith.constant 0 : index
    %get3A_31 = arith.constant 0 : index
    %get3A_32 = vector.load %arg5[%get3A_30, %get3A_31] : memref<128x128xf32, #tpu.memory_space<vmem>>, vector<128x128xf32>
    %dot_general3A_33 = arith.constant dense<0.000000e+00> : vector<10000x128xf32>
    %dot_general3A_34 = tpu.matmul %get3A_29, %get3A_32, %dot_general3A_33 {dimension_numbers = #tpu.dot_dimension_numbers<[1], [1], [0], [0], [0, 0, 1, 0], [], []>, transpose_lhs_hint = false} : vector<10000x128xf32>, vector<128x128xf32>, vector<10000x128xf32> -> vector<10000x128xf32>
    %add3A_35 = arith.addf %dot_general3A_26, %dot_general3A_34 : vector<10000x128xf32>
    %get3A_36 = arith.constant 0 : index
    %get3A_37 = vector.load %arg4[%get3A_36] : memref<128xf32, #tpu.memory_space<vmem>>, vector<128xf32>
    %broadcast_in_dim3A = vector.shape_cast %get3A_37 : vector<128xf32> to vector<1x128xf32>
    %add3A_38 = vector.broadcast %broadcast_in_dim3A : vector<1x128xf32> to vector<10000x128xf32>
    %add3A_39 = arith.addf %add3A_35, %add3A_38 : vector<10000x128xf32>
    %reduce_sum3A = arith.constant dense<0.000000e+00> : vector<128xf32>
    %reduce_sum3A_40 = vector.multi_reduction <add>, %add3A_39, %reduce_sum3A [0] : vector<10000x128xf32> to vector<128xf32>
    %div3A_41 = arith.constant 1.000000e+04 : f32
    %div3A_42 = vector.broadcast %div3A_41 : f32 to vector<128xf32>
    %div3A_43 = arith.divf %reduce_sum3A_40, %div3A_42 : vector<128xf32>
    %broadcast_in_dim3A_44 = vector.shape_cast %div3A_43 : vector<128xf32> to vector<1x128xf32>
    %sub3A = vector.broadcast %broadcast_in_dim3A_44 : vector<1x128xf32> to vector<10000x128xf32>
    %sub3A_45 = arith.subf %add3A_39, %sub3A : vector<10000x128xf32>
    %integer_pow3A = arith.mulf %sub3A_45, %sub3A_45 : vector<10000x128xf32>
    %reduce_sum3A_46 = arith.constant dense<0.000000e+00> : vector<128xf32>
    %reduce_sum3A_47 = vector.multi_reduction <add>, %integer_pow3A, %reduce_sum3A_46 [0] : vector<10000x128xf32> to vector<128xf32>
    %div3A_48 = arith.constant 1.000000e+04 : f32
    %div3A_49 = vector.broadcast %div3A_48 : f32 to vector<128xf32>
    %div3A_50 = arith.divf %reduce_sum3A_47, %div3A_49 : vector<128xf32>
    %broadcast_in_dim3A_51 = vector.shape_cast %div3A_43 : vector<128xf32> to vector<1x128xf32>
    %sub3A_52 = vector.broadcast %broadcast_in_dim3A_51 : vector<1x128xf32> to vector<10000x128xf32>
    %sub3A_53 = arith.subf %add3A_39, %sub3A_52 : vector<10000x128xf32>
    %add3A_54 = arith.constant 9.99999974E-6 : f32
    %add3A_55 = vector.broadcast %add3A_54 : f32 to vector<128xf32>
    %add3A_56 = arith.addf %div3A_50, %add3A_55 : vector<128xf32>
    %sqrt3A = math.sqrt %add3A_56 : vector<128xf32>
    %broadcast_in_dim3A_57 = vector.shape_cast %sqrt3A : vector<128xf32> to vector<1x128xf32>
    %div3A_58 = vector.broadcast %broadcast_in_dim3A_57 : vector<1x128xf32> to vector<10000x128xf32>
    %div3A_59 = arith.divf %sub3A_53, %div3A_58 : vector<10000x128xf32>
    %get3A_60 = arith.constant 0 : index
    %get3A_61 = vector.load %arg6[%get3A_60] : memref<128xf32, #tpu.memory_space<vmem>>, vector<128xf32>
    %broadcast_in_dim3A_62 = vector.shape_cast %get3A_61 : vector<128xf32> to vector<1x128xf32>
    %mul3A = vector.broadcast %broadcast_in_dim3A_62 : vector<1x128xf32> to vector<10000x128xf32>
    %mul3A_63 = arith.mulf %div3A_59, %mul3A : vector<10000x128xf32>
    %get3A_64 = arith.constant 0 : index
    %get3A_65 = vector.load %arg7[%get3A_64] : memref<128xf32, #tpu.memory_space<vmem>>, vector<128xf32>
    %broadcast_in_dim3A_66 = vector.shape_cast %get3A_65 : vector<128xf32> to vector<1x128xf32>
    %add3A_67 = vector.broadcast %broadcast_in_dim3A_66 : vector<1x128xf32> to vector<10000x128xf32>
    %add3A_68 = arith.addf %mul3A_63, %add3A_67 : vector<10000x128xf32>
    %max3A_69 = arith.constant 0.000000e+00 : f32
    %max3A_70 = vector.broadcast %max3A_69 : f32 to vector<10000x128xf32>
    %max3A_71 = arith.maximumf %add3A_68, %max3A_70 : vector<10000x128xf32>
    %swap3A = arith.constant 0 : index
    %swap3A_72 = arith.constant 0 : index
    %swap3A_73 = vector.load %arg8[%swap3A, %swap3A_72] : memref<10000x128xf32, #tpu.memory_space<vmem>>, vector<10000x128xf32>
    tpu.vector_store %arg8[%swap3A, %swap3A_72], %max3A_71 {strides = array<i32>} : memref<10000x128xf32, #tpu.memory_space<vmem>>, vector<10000x128xf32>,
    %swap3A_74 = arith.constant 0 : index
    %swap3A_75 = arith.constant 0 : index
    %swap3A_76 = vector.load %arg9[%swap3A_74, %swap3A_75] : memref<10000x1xf32, #tpu.memory_space<vmem>>, vector<10000x1xf32>
    tpu.vector_store %arg9[%swap3A_74, %swap3A_75], %add3A_19 {strides = array<i32>} : memref<10000x1xf32, #tpu.memory_space<vmem>>, vector<10000x1xf32>,
    return
  }
}

module attributes {stable_mosaic.version = 14 : i64} {
  func.func @_dense2_body(%arg0: memref<2x10000x128xf32, #tpu.memory_space<vmem>>, %arg1: memref<10000x1xf32, #tpu.memory_space<vmem>>, %arg2: memref<10000x128xf32, #tpu.memory_space<vmem>>, %arg3: memref<128x128xf32, #tpu.memory_space<vmem>>, %arg4: memref<128xf32, #tpu.memory_space<vmem>>, %arg5: memref<128x128xf32, #tpu.memory_space<vmem>>, %arg6: memref<128xf32, #tpu.memory_space<vmem>>, %arg7: memref<128xf32, #tpu.memory_space<vmem>>, %arg8: memref<2x128xf32, #tpu.memory_space<vmem>>, %arg9: memref<2xf32, #tpu.memory_space<vmem>>, %arg10: memref<10000x2xf32, #tpu.memory_space<vmem>>) attributes {dimension_semantics = [], scalar_prefetch = 0 : i64, scratch_operands = 0 : i64, tpu.core_type = #tpu.core_type<tc>} {
    %get3A = arith.constant 0 : index
    %get3A_0 = arith.constant 0 : index
    %get3A_1 = arith.constant 0 : index
    %get3A_2 = vector.load %arg0[%get3A, %get3A_0, %get3A_1] : memref<2x10000x128xf32, #tpu.memory_space<vmem>>, vector<1x10000x128xf32>
    %get3A_3 = vector.shape_cast %get3A_2 : vector<1x10000x128xf32> to vector<10000x128xf32>
    %get3A_4 = arith.constant 1 : index
    %get3A_5 = arith.constant 0 : index
    %get3A_6 = arith.constant 0 : index
    %get3A_7 = vector.load %arg0[%get3A_4, %get3A_5, %get3A_6] : memref<2x10000x128xf32, #tpu.memory_space<vmem>>, vector<1x10000x128xf32>
    %get3A_8 = vector.shape_cast %get3A_7 : vector<1x10000x128xf32> to vector<10000x128xf32>
    %add3A = arith.addf %get3A_3, %get3A_8 : vector<10000x128xf32>
    %get3A_9 = arith.constant 0 : index
    %get3A_10 = arith.constant 0 : index
    %get3A_11 = vector.load %arg1[%get3A_9, %get3A_10] : memref<10000x1xf32, #tpu.memory_space<vmem>>, vector<10000x1xf32>
    %max3A = arith.constant 1.000000e+00 : f32
    %max3A_12 = vector.broadcast %max3A : f32 to vector<10000x1xf32>
    %max3A_13 = arith.maximumf %get3A_11, %max3A_12 : vector<10000x1xf32>
    %div3A = vector.broadcast %max3A_13 : vector<10000x1xf32> to vector<10000x128xf32>
    %div3A_14 = arith.divf %add3A, %div3A : vector<10000x128xf32>
    %get3A_15 = arith.constant 0 : index
    %get3A_16 = arith.constant 0 : index
    %get3A_17 = vector.load %arg3[%get3A_15, %get3A_16] : memref<128x128xf32, #tpu.memory_space<vmem>>, vector<128x128xf32>
    %dot_general3A = arith.constant dense<0.000000e+00> : vector<10000x128xf32>
    %dot_general3A_18 = tpu.matmul %div3A_14, %get3A_17, %dot_general3A {dimension_numbers = #tpu.dot_dimension_numbers<[1], [1], [0], [0], [0, 0, 1, 0], [], []>, transpose_lhs_hint = false} : vector<10000x128xf32>, vector<128x128xf32>, vector<10000x128xf32> -> vector<10000x128xf32>
    %get3A_19 = arith.constant 0 : index
    %get3A_20 = arith.constant 0 : index
    %get3A_21 = vector.load %arg2[%get3A_19, %get3A_20] : memref<10000x128xf32, #tpu.memory_space<vmem>>, vector<10000x128xf32>
    %get3A_22 = arith.constant 0 : index
    %get3A_23 = arith.constant 0 : index
    %get3A_24 = vector.load %arg5[%get3A_22, %get3A_23] : memref<128x128xf32, #tpu.memory_space<vmem>>, vector<128x128xf32>
    %dot_general3A_25 = arith.constant dense<0.000000e+00> : vector<10000x128xf32>
    %dot_general3A_26 = tpu.matmul %get3A_21, %get3A_24, %dot_general3A_25 {dimension_numbers = #tpu.dot_dimension_numbers<[1], [1], [0], [0], [0, 0, 1, 0], [], []>, transpose_lhs_hint = false} : vector<10000x128xf32>, vector<128x128xf32>, vector<10000x128xf32> -> vector<10000x128xf32>
    %add3A_27 = arith.addf %dot_general3A_18, %dot_general3A_26 : vector<10000x128xf32>
    %get3A_28 = arith.constant 0 : index
    %get3A_29 = vector.load %arg4[%get3A_28] : memref<128xf32, #tpu.memory_space<vmem>>, vector<128xf32>
    %broadcast_in_dim3A = vector.shape_cast %get3A_29 : vector<128xf32> to vector<1x128xf32>
    %add3A_30 = vector.broadcast %broadcast_in_dim3A : vector<1x128xf32> to vector<10000x128xf32>
    %add3A_31 = arith.addf %add3A_27, %add3A_30 : vector<10000x128xf32>
    %reduce_sum3A = arith.constant dense<0.000000e+00> : vector<128xf32>
    %reduce_sum3A_32 = vector.multi_reduction <add>, %add3A_31, %reduce_sum3A [0] : vector<10000x128xf32> to vector<128xf32>
    %div3A_33 = arith.constant 1.000000e+04 : f32
    %div3A_34 = vector.broadcast %div3A_33 : f32 to vector<128xf32>
    %div3A_35 = arith.divf %reduce_sum3A_32, %div3A_34 : vector<128xf32>
    %broadcast_in_dim3A_36 = vector.shape_cast %div3A_35 : vector<128xf32> to vector<1x128xf32>
    %sub3A = vector.broadcast %broadcast_in_dim3A_36 : vector<1x128xf32> to vector<10000x128xf32>
    %sub3A_37 = arith.subf %add3A_31, %sub3A : vector<10000x128xf32>
    %integer_pow3A = arith.mulf %sub3A_37, %sub3A_37 : vector<10000x128xf32>
    %reduce_sum3A_38 = arith.constant dense<0.000000e+00> : vector<128xf32>
    %reduce_sum3A_39 = vector.multi_reduction <add>, %integer_pow3A, %reduce_sum3A_38 [0] : vector<10000x128xf32> to vector<128xf32>
    %div3A_40 = arith.constant 1.000000e+04 : f32
    %div3A_41 = vector.broadcast %div3A_40 : f32 to vector<128xf32>
    %div3A_42 = arith.divf %reduce_sum3A_39, %div3A_41 : vector<128xf32>
    %broadcast_in_dim3A_43 = vector.shape_cast %div3A_35 : vector<128xf32> to vector<1x128xf32>
    %sub3A_44 = vector.broadcast %broadcast_in_dim3A_43 : vector<1x128xf32> to vector<10000x128xf32>
    %sub3A_45 = arith.subf %add3A_31, %sub3A_44 : vector<10000x128xf32>
    %add3A_46 = arith.constant 9.99999974E-6 : f32
    %add3A_47 = vector.broadcast %add3A_46 : f32 to vector<128xf32>
    %add3A_48 = arith.addf %div3A_42, %add3A_47 : vector<128xf32>
    %sqrt3A = math.sqrt %add3A_48 : vector<128xf32>
    %broadcast_in_dim3A_49 = vector.shape_cast %sqrt3A : vector<128xf32> to vector<1x128xf32>
    %div3A_50 = vector.broadcast %broadcast_in_dim3A_49 : vector<1x128xf32> to vector<10000x128xf32>
    %div3A_51 = arith.divf %sub3A_45, %div3A_50 : vector<10000x128xf32>
    %get3A_52 = arith.constant 0 : index
    %get3A_53 = vector.load %arg6[%get3A_52] : memref<128xf32, #tpu.memory_space<vmem>>, vector<128xf32>
    %broadcast_in_dim3A_54 = vector.shape_cast %get3A_53 : vector<128xf32> to vector<1x128xf32>
    %mul3A = vector.broadcast %broadcast_in_dim3A_54 : vector<1x128xf32> to vector<10000x128xf32>
    %mul3A_55 = arith.mulf %div3A_51, %mul3A : vector<10000x128xf32>
    %get3A_56 = arith.constant 0 : index
    %get3A_57 = vector.load %arg7[%get3A_56] : memref<128xf32, #tpu.memory_space<vmem>>, vector<128xf32>
    %broadcast_in_dim3A_58 = vector.shape_cast %get3A_57 : vector<128xf32> to vector<1x128xf32>
    %add3A_59 = vector.broadcast %broadcast_in_dim3A_58 : vector<1x128xf32> to vector<10000x128xf32>
    %add3A_60 = arith.addf %mul3A_55, %add3A_59 : vector<10000x128xf32>
    %max3A_61 = arith.constant 0.000000e+00 : f32
    %max3A_62 = vector.broadcast %max3A_61 : f32 to vector<10000x128xf32>
    %max3A_63 = arith.maximumf %add3A_60, %max3A_62 : vector<10000x128xf32>
    %get3A_64 = arith.constant 0 : index
    %get3A_65 = arith.constant 0 : index
    %get3A_66 = vector.load %arg8[%get3A_64, %get3A_65] : memref<2x128xf32, #tpu.memory_space<vmem>>, vector<2x128xf32>
    %dot_general3A_67 = arith.constant dense<0.000000e+00> : vector<10000x2xf32>
    %dot_general3A_68 = tpu.matmul %max3A_63, %get3A_66, %dot_general3A_67 {dimension_numbers = #tpu.dot_dimension_numbers<[1], [1], [0], [0], [0, 0, 1, 0], [], []>, transpose_lhs_hint = false} : vector<10000x128xf32>, vector<2x128xf32>, vector<10000x2xf32> -> vector<10000x2xf32>
    %get3A_69 = arith.constant 0 : index
    %get3A_70 = vector.load %arg9[%get3A_69] : memref<2xf32, #tpu.memory_space<vmem>>, vector<2xf32>
    %broadcast_in_dim3A_71 = vector.shape_cast %get3A_70 : vector<2xf32> to vector<1x2xf32>
    %add3A_72 = vector.broadcast %broadcast_in_dim3A_71 : vector<1x2xf32> to vector<10000x2xf32>
    %add3A_73 = arith.addf %dot_general3A_68, %add3A_72 : vector<10000x2xf32>
    %swap3A = arith.constant 0 : index
    %swap3A_74 = arith.constant 0 : index
    %swap3A_75 = vector.load %arg10[%swap3A, %swap3A_74] : memref<10000x2xf32, #tpu.memory_space<vmem>>, vector<10000x2xf32>
    tpu.vector_store %arg10[%swap3A, %swap3A_74], %add3A_73 {strides = array<i32>} : memref<10000x2xf32, #tpu.memory_space<vmem>>, vector<10000x2xf32>,
    return
  }
}

</mosaic_0001>

<sc_bundles>
// kernel: kernel.6.cloned.1.call-start
scs
__scs_entry_jumppad:
0x0: {  	(pc) =	sbr.rel $0x88, $3  }
0x1: {  	(tag) =	ssettag $0x0;
	lr =	simm.s32 $0x1  }
0x2: {  	[smem:$0x3F93] =	sst lr;
	_ =	strace $0xD0000000  }
0x3: {  	_ = 	snop  }
0x4: {  	_ = 	snop  }
0x5: {  	_ = 	snop  }
0x6: {  	_ = 	snop  }
0x7: {  	_ = 	snop  }
__scs_overlays_trampoline_lowered:
0x8: {  	[smem:$0x3FA2] =	sst s0  }
0x9: {  	[smem:$0x3FA3] =	sst s1  }
0xa: {  	[smem:$0x3FA4] =	sst s2  }
0xb: {  	[smem:$0x3FA5] =	sst s3  }
0xc: {  	[smem:$0x3FA6] =	sst s4  }
0xd: {  	[smem:$0x3FA7] =	sst s5  }
0xe: {  	[smem:$0x3FA8] =	sst s6  }
0xf: {  	[smem:$0x3FA9] =	sst s7  }
0x10: {  	[smem:$0x3FAA] =	sst s8  }
0x11: {  	[smem:$0x3FAB] =	sst s9;
	s0 =	simm.s32 @!p0 $0x0  }
0x12: {  	s1 =	sld [smem:$0x3F91];
	s0 =	simm.s32 @p0 $0x1  }
0x13: {  	[smem:$0x3FAC] =	sst s0;
	s0 =	simm.s32 @!p1 $0x0  }
0x14: {  	s2 =	sld [smem:$0x3F90];
	s0 =	simm.s32 @p1 $0x1  }
0x15: {  	[smem:$0x3FAD] =	sst s0;
	s0 =	simm.s32 @!p2 $0x0  }
0x16: {  	s3 =	sld [smem:$0x3FDB];
	s0 =	simm.s32 @p2 $0x1  }
0x17: {  	s4 =	simm.s32 $0x1BF5;
	[smem:$0x3FAF] =	sst s0  }
0x18: {  	s0 =	sld [smem:$0x3F92];
	_ =	swait.ge [sflag:s4], $0x0  }
0x19: {  	s7 =	sld [smem:$0x3F93]  }
0x1a: {  	s8 =	sadd.s32 $0xFFFFE003, lr  }
0x1b: {  	s9 =	sadd.s32 $0xFFFFFEF7, lr;
	s5 =	simm.s32 $0xFFFFFFFF;
	p2 =	slt.u32 s8, $0xFFFFF086  }
0x1c: {  	p1 =	slt.u32 s9, $0xF7A;
	s5 =	simm.s32 @!p2 $0x0  }
0x1d: {  	s5 =	simm.s32 @p1 $0x1;
	p0 =	seq.s32 s7, s2  }
0x1e: {  	s7 =	smul.u32 @!p0 $0xF7A, s2;
	p2 =	seq.s32 @!p0 s5, $0x0  }
0x1f: {  	s9 =	smul.u32 $0xF7A, s1;
	s8 =	simm.s32 @!p0 $0x1BF5;
	p2 =	por !p2, p0  }
0x20: {  	[sflag:s8] =	ssyncset.s32 @!p0 $0xFFFFF086;
	s6 =	sadd.s32 @!p0 s3, s7;
	s7 =	simm.s32 @!p0 $0x108  }
0x21: {  	s3 =	sadd.s32 s3, s9;
	s6 =	sadd.s32 @!p0 $0x88, s6;
	s7 =	simm.s32 @p2 $0x1082  }
0x22: {  	[simem:s7], [sflag:s8] =	dma.local @!p0 [hbm:s6], $0xF7A  }
0x23: {  	s9 =	sor.u32 $0xD0000000, s2;
	s6 =	simm.s32 $0x108;
	_ =	swait.ge @!p0 [sflag:s8], $0x0  }
0x24: {  	s3 =	sadd.s32 $0x88, s3;
	s6 =	simm.s32 @!p1 $0x1082;
	[sflag:s4] =	ssyncset.s32 $0xFFFFF086  }
0x25: {  	[simem:s6], [sflag:s4] =	dma.local [hbm:s3], $0xF7A  }
0x26: {  	[smem:$0x3F93] =	sst s1;
	(tag) =	ssettag s2;
	_ =	strace s9  }
0x27: {  	s1 =	sld [smem:$0x3FA3]  }
0x28: {  	s2 =	sld [smem:$0x3FA4]  }
0x29: {  	s4 =	sld [smem:$0x3FA6]  }
0x2a: {  	p0 =	seq.s32 s5, $0x0;
	s5 =	sld [smem:$0x3FA7]  }
0x2b: {  	s6 =	sld [smem:$0x3FA8]  }
0x2c: {  	s7 =	sld [smem:$0x3FA9]  }
0x2d: {  	s3 =	simm.s32 $0x108;
	s8 =	sld [smem:$0x3FAA]  }
0x2e: {  	s3 =	simm.s32 @!p0 $0x1082;
	s9 =	sld [smem:$0x3FAB]  }
0x2f: {  	lr =	sadd.s32 s0, s3;
	s0 =	sld [smem:$0x3FA2]  }
0x30: {  	s3 =	sld [smem:$0x3FA5]  }
0x31: {  	[smem:$0x3FAE] =	sst s10  }
0x32: {  	s10 =	sld [smem:$0x3FAC];
	_ =	sdelay $0x3  }
0x33: {  	p0 =	seq.s32 s10, $0x1;
	s10 =	sld [smem:$0x3FAE];
	_ =	sdelay $0x3  }
0x34: {  	[smem:$0x3FAE] =	sst s10  }
0x35: {  	s10 =	sld [smem:$0x3FAD];
	_ =	sdelay $0x3  }
0x36: {  	p1 =	seq.s32 s10, $0x1;
	s10 =	sld [smem:$0x3FAE];
	_ =	sdelay $0x3  }
0x37: {  	[smem:$0x3FAE] =	sst s10  }
0x38: {  	s10 =	sld [smem:$0x3FAF]  }
0x39: {  	_ = 	snop;
	(pc) =	sbr.ind lr, $3  }
0x3a: {  	_ = 	snop  }
0x3b: {  	_ = 	snop  }
0x3c: {  	p2 =	seq.s32 s10, $0x1;
	s10 =	sld [smem:$0x3FAE]  }
0x3d: {  	_ =	shalt  }
0x3e: {  	_ =	shalt  }
0x3f: {  	_ =	shalt  }
0x40: {  	_ =	shalt  }
0x41: {  	_ =	shalt  }
0x42: {  	_ =	shalt  }
0x43: {  	_ =	shalt  }
0x44: {  	_ =	shalt  }
0x45: {  	_ =	shalt  }
0x46: {  	_ =	shalt  }
0x47: {  	_ =	shalt  }
0x48: {  	_ =	shalt  }
0x49: {  	_ =	shalt  }
0x4a: {  	_ =	shalt  }
0x4b: {  	_ =	shalt  }
0x4c: {  	_ =	shalt  }
0x4d: {  	_ =	shalt  }
0x4e: {  	_ =	shalt  }
0x4f: {  	_ =	shalt  }
0x50: {  	_ =	shalt  }
0x51: {  	_ =	shalt  }
0x52: {  	_ =	shalt  }
0x53: {  	_ =	shalt  }
0x54: {  	_ =	shalt  }
0x55: {  	_ =	shalt  }
0x56: {  	_ =	shalt  }
0x57: {  	_ =	shalt  }
0x58: {  	_ =	shalt  }
0x59: {  	_ =	shalt  }
0x5a: {  	_ =	shalt  }
0x5b: {  	_ =	shalt  }
0x5c: {  	_ =	shalt  }
0x5d: {  	_ =	shalt  }
0x5e: {  	_ =	shalt  }
0x5f: {  	_ =	shalt  }
0x60: {  	_ =	shalt  }
0x61: {  	_ =	shalt  }
0x62: {  	_ =	shalt  }
0x63: {  	_ =	shalt  }
0x64: {  	_ =	shalt  }
0x65: {  	_ =	shalt  }
0x66: {  	_ =	shalt  }
0x67: {  	_ =	shalt  }
0x68: {  	_ =	shalt  }
0x69: {  	_ =	shalt  }
0x6a: {  	_ =	shalt  }
0x6b: {  	_ =	shalt  }
0x6c: {  	_ =	shalt  }
0x6d: {  	_ =	shalt  }
0x6e: {  	_ =	shalt  }
0x6f: {  	_ =	shalt  }
0x70: {  	_ =	shalt  }
0x71: {  	_ =	shalt  }
0x72: {  	_ =	shalt  }
0x73: {  	_ =	shalt  }
0x74: {  	_ =	shalt  }
0x75: {  	_ =	shalt  }
0x76: {  	_ =	shalt  }
0x77: {  	_ =	shalt  }
0x78: {  	_ =	shalt  }
0x79: {  	_ =	shalt  }
0x7a: {  	_ =	shalt  }
0x7b: {  	_ =	shalt  }
0x7c: {  	_ =	shalt  }
0x7d: {  	_ =	shalt  }
0x7e: {  	_ =	shalt  }
0x7f: {  	_ =	shalt  }
0x80: {  	_ =	shalt  }
0x81: {  	_ =	shalt  }
0x82: {  	_ =	shalt  }
0x83: {  	_ =	shalt  }
0x84: {  	_ =	shalt  }
0x85: {  	_ =	shalt  }
0x86: {  	_ =	shalt  }
0x87: {  	_ =	shalt  }
.Lfunc_end0:
.L_simem_size_0:
called_computation_lowered:
.L_overlay_start_0:
0x88: {  	s2 =	sld [smem:$0x3FD9]  }
0x89: {  	s3 =	sld [smem:$0x3FFE];
	_ =	sdelay $0x1  }
0x8a: {  	s1 =	srdreg.scid  }
0x8b: {  	s0 =	sand.u32 $0x1, s1  }
0x8c: {  	s17 =	sshll.u32 s0, $0xA;
	s2 =	sadd.s32 s3, s2  }
0x8d: {  	s2 =	sadd.s32 s2, s17  }
0x8e: {  	[smem:$0x3FBA] =	sst s2  }
0x8f: {  	_ = 	snop  }
0x90: {  	s2 =	sld [smem:$0x3FC9]  }
0x91: {  	s18 =	sld [smem:$0x3FD0];
	(tm) =	ssettm $0x1  }
0x92: {  	s4 =	sld [smem:$0x3FFB];
	_ =	sdelay $0x3  }
0x93: {  	_ =	strace s4  }
0x94: {  	s4 =	sld [smem:$0x3FFC];
	_ =	sdelay $0x3  }
0x95: {  	_ =	strace s4  }
0x96: {  	s4 =	sld [smem:$0x3FFD];
	_ =	sdelay $0x3  }
0x97: {  	_ =	strace s4  }
0x98: {  	_ =	strace $0x8FFFFFFF  }
0x99: {  	s19 =	sld [smem:$0x3FDB];
	_ =	sdelay $0x1  }
0x9a: {  	s5 =	simm.s32 $_scs_section_size  }
0x9b: {  	s6 =	simm.s32 $_size__tile_overlayer_lowered;
	s7 =	simm.s32 $_tile_overlayer_lowered  }
0x9c: {  	s22 =	simm.s32 $0x1BFF;
	s21 =	sshll.u32 s7, $0x1;
	s4 =	sadd.s32 s5, s19  }
0x9d: {  	s8 =	simm.s32 $0x0;
	s20 =	sshll.u32 s6, $0x1;
	s6 =	sadd.s32 s21, s4  }
0x9e: {  	[timem:s8], [sflag:s22] =	dma.local [hbm:s6], s20  }
0x9f: {  	_ =	swait.ge [sflag:s22], s20  }
0xa0: {  	s5 =	ssub.s32 $0x0, s20;
	[sflag:s22] =	ssyncset.done $0x0  }
0xa1: {  	[sflag:s22] =	ssyncadd.s32 s5;
	_ =	sdelay $0x1  }
0xa2: {  	s23 =	simm.s32 $0x1B8B  }
0xa3: {  	_ =	swait.ge [sflag:s23], $0x1  }
0xa4: {  	[sflag:s23] =	ssyncset.done $0x0  }
0xa5: {  	s25 =	simm.s32 $0x1B8E;
	s24 =	sld [smem:$0x3FFE];
	[sflag:s23] =	ssyncadd.s32 $0xFFFFFFFF  }
0xa6: {  	s26 =	simm.s32 $execute0_lowered;
	[smem:$0x3FD2] =	sst s25  }
0xa7: {  	s6 =	sshll.u32 s26, $0x1;
	_ =	strace $0x80000046;
	[dreg:$0x1] =	wrdreg $0xFFFFFFFF  }
0xa8: {  	s28 =	simm.s32 $_size_execute0_lowered;
	s4 =	sadd.s32 s4, s6;
	[dreg:$0x0] =	wrdreg $0x0  }
0xa9: {  	s6 =	sshll.u32 s28, $0x1;
	[dreg:$0x2] =	wrdreg s4  }
0xaa: {  	[dreg:$0x3] =	wrdreg s6  }
0xab: {  	[dreg:$0x4] =	wrdreg $0xC0  }
0xac: {  	_ =	task [dreg:s8], $0x5FFFF  }
0xad: {  	[dreg:$0x1] =	wrdreg $0xFFFFFFFF  }
0xae: {  	[dreg:$0x0] =	wrdreg $0x60  }
0xaf: {  	[dreg:$0x2] =	wrdreg s2  }
0xb0: {  	[dreg:$0x3] =	wrdreg s24  }
0xb1: {  	[dreg:$0x4] =	wrdreg s18  }
0xb2: {  	[dreg:$0x5] =	wrdreg $0x97400  }
0xb3: {  	[dreg:$0x6] =	wrdreg $0x1D4C00  }
0xb4: {  	[dreg:$0x7] =	wrdreg $0x9  }
0xb5: {  	_ =	task.clear_ibuf [dreg:s8], $0x8FFFF;
	_ =	strace $0x90000046  }
0xb6: {  	s29 =	simm.s32 $0x9;
	_ =	strace $0x80000048  }
0xb7: {  	_ =	swait.ge [sflag:s29], $0x1  }
0xb8: {  	[sflag:s29] =	ssyncadd.s32 $0xFFFFFFFF  }
0xb9: {  	_ =	strace $0x90000048  }
0xba: {  	_ =	sfence  }
0xbb: {  	s30 =	sld [smem:$0x0];
	_ =	sdelay $0x2  }
0xbc: {  	s31 =	sshll.u32 s1, $0xD;
	s1 =	sshrl.u32 s1, $0x2  }
0xbd: {  	s3 =	sand.u32 $0x4000, s31;
	s1 =	sadd.s32 s1, s30  }
0xbe: {  	s0 =	sor.u32 s3, s0;
	s1 =	sshll.u32 s1, $0x11  }
0xbf: {  	s0 =	sor.u32 s1, s0  }
0xc0: {  	s0 =	sadd.s32 $0x8F2B, s0  }
0xc1: {  	[sflag:s0] =	ssyncadd.remote.s32 $0x1  }
0xc2: {  	_ =	sfence.sel $0xFFFF  }
0xc3: {  	[dreg:$0x0] =	wrdreg $0xFFFFFFFF;
	(pc) =	sbr.abs _section_cstart, $3  }
0xc4: {  	[dreg:$0x1] =	wrdreg $0xFFFFFFFF  }
0xc5: {  	_ =	task.clear_ibuf [dreg:s8], $0x2FFFF;
	_ =	strace $0x9FFFFFFF  }
0xc6: {  	(tm) =	ssettm $0x7FFFFFFF  }
0xc7: {  	_ =	shalt  }
tec
execute0_lowered:
.L_overlay_start_1:
0x0: {  	(tag) =	ssettag $0x1  }
0x1: {  	s1 =	rddreg [dreg:$0x0]  }
0x2: {  	s0 =	rddreg [dreg:$0x1]  }
0x3: {  	s3 =	rddreg [dreg:$0x3]  }
0x4: {  	s4 =	rddreg [dreg:$0x4];
	s5 =	simm.s32 $0x0;
	s2 =	stileid.u32  }
0x5: {  	s8 =	srdreg.scid;
	s28 =	simm.s32 $0x50;
	s31 =	simm.s32 $0x1  }
0x6: {  	s29 =	simm.s32 $0x0;
	[smem:$0x7FF] =	sst s5;
	s6 =	smul.u32 $0x13800, s2  }
0x7: {  	s7 =	sadd.s32 $0xC800, s0;
	s9 =	smul.u32 $0x2700, s2;
	s10 =	sadd.s32 $0x2A00, s0  }
0x8: {  	s12 =	sand.u32 $0x1, s8;
	s14 =	sadd.s32 $0x4C600, s0;
	s16 =	sadd.s32 $0x42800, s0  }
0x9: {  	s25 =	sshll.u32 s2, $0x6;
	s30 =	sadd.s32 $0x138000, s3;
	p0 =	sne.s32 s2, $0x0  }
0xa: {  	_ =	strace $0x80000047;
	s13 =	ssub.s32 $0x2, s12;
	s24 =	sshll.u32 s12, $0x4  }
0xb: {  	s26 =	smul.u32 $0x138800, s12;
	[dreg:$0xa] =	wrdreg s30;
	s11 =	sshrl.u32 s6, $0x3  }
0xc: {  	s23 =	sshrl.u32 s9, $0x3;
	s15 =	sshrl.u32 s13, $0x1;
	s17 =	sadd.s32 s6, s3  }
0xd: {  	s18 =	sadd.s32 s9, s4;
	s22 =	sadd.s32 s11, s0;
	s11 =	sadd.s32 s23, s0  }
0xe: {  	s13 =	ssub.s32 s13, s15;
	s15 =	sor.u32 s2, s24;
	[dreg:$0x6] =	wrdreg s17  }
0xf: {  	[dreg:$0x8] =	wrdreg s18;
	s18 =	sadd.s32 $0x42600, s0;
	s6 =	sadd.s32 s6, s26  }
0x10: {  	s21 =	sshrl.u32 s26, $0x3;
	s0 =	sadd.s32 $0x1B400, s0;
	[dreg:$0xb] =	wrdreg s18  }
0x11: {  	s8 =	sadd.s32 $0x1B600, s22;
	s11 =	sadd.s32 $0x16600, s11;
	[dreg:$0xf] =	wrdreg s0  }
0x12: {  	s19 =	smul.u32 $0x2710, s15;
	s6 =	sshrl.u32 s6, $0x3;
	[dreg:$0x7] =	wrdreg s8  }
0x13: {  	s8 =	sor.u32 $0x1C05, s25;
	[dreg:$0x9] =	wrdreg s11;
	s6 =	sadd.s32 s14, s6  }
0x14: {  	s11 =	smul.u32 $0x27100, s12;
	s25 =	sadd.s32 $0x27000, s4;
	[dreg:$0xc] =	wrdreg s6  }
0x15: {  	s23 =	smul.u32 $0x2710, s2;
	s2 =	simm.s32 $0x4;
	[dreg:$0xe] =	wrdreg s25  }
0x16: {  	s26 =	sshrl.u32 s19, $0x3;
	s25 =	simm.s32 $0x1CFC0;
	s9 =	sadd.s32 s9, s11  }
0x17: {  	s22 =	sshrl.u32 s11, $0x3;
	s11 =	sadd.s32 s23, s11;
	s12 =	sadd.s32 s7, s26  }
0x18: {  	s18 =	sadd.s32 s10, s26;
	s26 =	simm.s32 $0x3;
	s20 =	sshrl.u32 s9, $0x3  }
.Ltmp0:
0x19: {  	s9 =	sadd.s32 s14, s21;
	s24 =	sadd.s32 s16, s22;
	(pc) =	sbr.rel .LBB2_1-.Ltmp0, $4  }
0x1a: {  	[dreg:$0x10] =	wrdreg s12;
	s30 =	sadd.s32 $0x7D0, s11;
	s21 =	smax.u32 s13, $0x1  }
0x1b: {  	s6 =	sadd.s32 s16, s20;
	s19 =	sadd.s32 $0x27000, s9;
	s20 =	sadd.s32 $0x4E00, s24  }
0x1c: {  	s0 =	sshrl.u32 s30, $0x3;
	s24 =	simm.s32 $0x5;
	[dreg:$0xd] =	wrdreg s6  }
0x1d: {  	s11 =	sadd.s32 s0, s10;
	s10 =	sadd.s32 s0, s7;
	s0 =	simm.s32 $0x2  }
.LBB2_9:
0x1e: {  	_ =	swait.ge [sflag:s0], $0x2800  }
0x1f: {  	[sflag:s0] =	ssyncset.done $0x0  }
0x20: {  	[sflag:s0] =	ssyncadd.s32 $0xFFFFD800  }
0x21: {  	_ =	swait.ge [sflag:s2], $0x500  }
0x22: {  	[sflag:s2] =	ssyncset.done $0x0  }
0x23: {  	[sflag:s2] =	ssyncadd.s32 $0xFFFFFB00  }
0x24: {  	[bflag:$0x0] =	sbarrier.arrive $0xFFFF  }
0x25: {  	s12 =	rddreg [dreg:$0xc]  }
0x26: {  	[hbm:s12], [sflag:s8] =	dma.local [spmem:s30], $0x2700  }
0x27: {  	_ =	swait.ge [sflag:s24], $0x2700  }
0x28: {  	[sflag:s24] =	ssyncset.done $0x0  }
0x29: {  	s30 =	rddreg [dreg:$0xd];
	[sflag:s24] =	ssyncadd.s32 $0xFFFFD900  }
0x2a: {  	[hbm:s30], [sflag:s8] =	dma.local [spmem:s6], $0x4E0  }
0x2b: {  	_ =	swait.ge [sflag:s24], $0x4E0  }
0x2c: {  	[sflag:s24] =	ssyncset.done $0x0  }
0x2d: {  	s6 =	simm.s32 @!p0 $0x5;
	[sflag:s24] =	ssyncadd.s32 $0xFFFFFB20  }
0x2e: {  	[hbm:s19], [sflag:s8] =	dma.local @!p0 [spmem:s7], $0x100  }
0x2f: {  	s29 =	sadd.s32 $0x1, s29;
	_ =	swait.ge @!p0 [sflag:s6], $0x100  }
0x30: {  	p1 =	sne.s32 s29, s21;
	[sflag:s6] =	ssyncset.done @!p0 $0x0  }
.Ltmp1:
0x31: {  	[sflag:s6] =	ssyncadd.s32 @!p0 $0xFFFFFF00;
	(pc) =	sbr.rel @!p1 .LBB2_10-.Ltmp1, $4  }
0x32: {  	[hbm:s20], [sflag:s8] =	dma.local @!p0 [spmem:s9], $0x20  }
0x33: {  	_ =	swait.ge @!p0 [sflag:s6], $0x20  }
0x34: {  	[sflag:s6] =	ssyncset.done @!p0 $0x0  }
0x35: {  	[sflag:s6] =	ssyncadd.s32 @!p0 $0xFFFFFFE0  }
.LBB2_1:
0x36: {  	s6 =	rddreg [dreg:$0x6]  }
0x37: {  	s13 =	rddreg [dreg:$0x7];
	s30 =	sshrl.u32 s6, $0x3  }
0x38: {  	[spmem:s30], [sflag:s8] =	dma.local [hbm:s13], $0x2700  }
0x39: {  	_ =	swait.ge [sflag:s24], $0x2700  }
0x3a: {  	[sflag:s24] =	ssyncset.done $0x0;
	s14 =	rddreg [dreg:$0x8]  }
0x3b: {  	s7 =	rddreg [dreg:$0x9];
	[sflag:s24] =	ssyncadd.s32 $0xFFFFD900;
	s6 =	sshrl.u32 s14, $0x3  }
0x3c: {  	[spmem:s6], [sflag:s8] =	dma.local [hbm:s7], $0x4E0  }
0x3d: {  	_ =	swait.ge [sflag:s24], $0x4E0  }
0x3e: {  	[sflag:s24] =	ssyncset.done $0x0  }
0x3f: {  	[sflag:s24] =	ssyncadd.s32 $0xFFFFFB20  }
0x40: {  	s15 =	rddreg [dreg:$0x2]  }
0x41: {  	[tilespmem:s25], [sflag:$0x5] =	stream.linear.gather [hbm4b:s15+s5], $0x500, $0x38;
	[tilespmem:$0x1FBD0] =	vst v63  }
0x42: {  	_ =	swait.ge [sflag:s24], $0x500  }
0x43: {  	s12 =	simm.s32 @!p0 $0x5;
	[sflag:s24] =	ssyncset.done $0x0;
	s7 =	rddreg [dreg:$0xa]  }
0x44: {  	s9 =	rddreg [dreg:$0xb];
	[sflag:s24] =	ssyncadd.s32 $0xFFFFFB00;
	s7 =	sshrl.u32 @!p0 s7, $0x3  }
0x45: {  	[spmem:s7], [sflag:s8] =	dma.local @!p0 [hbm:s9], $0x100  }
0x46: {  	_ =	swait.ge @!p0 [sflag:s12], $0x100  }
0x47: {  	[sflag:s12] =	ssyncset.done @!p0 $0x0;
	s9 =	rddreg [dreg:$0xe]  }
0x48: {  	s13 =	rddreg [dreg:$0xf];
	[sflag:s12] =	ssyncadd.s32 @!p0 $0xFFFFFF00;
	s9 =	sshrl.u32 @!p0 s9, $0x3  }
0x49: {  	[spmem:s9], [sflag:s8] =	dma.local @!p0 [hbm:s13], $0x20  }
0x4a: {  	_ =	swait.ge @!p0 [sflag:s12], $0x20  }
0x4b: {  	[sflag:s12] =	ssyncset.done @!p0 $0x0  }
0x4c: {  	s16 =	rddreg [dreg:$0x10];
	[sflag:s12] =	ssyncadd.s32 @!p0 $0xFFFFFFE0  }
0x4d: {  	[tilespmem:s5], [sflag:$0x5] =	stream.linear.gather [hbm4b:s16+s5], $0x7D0, $0x38;
	[tilespmem:$0x1FBD0] =	vst v63  }
0x4e: {  	_ =	swait.ge [sflag:s24], $0x7D0  }
0x4f: {  	[sflag:s24] =	ssyncset.done $0x0  }
0x50: {  	s17 =	simm.s32 $0xFA0;
	[sflag:s24] =	ssyncadd.s32 $0xFFFFF830  }
0x51: {  	[tilespmem:s17], [sflag:$0x5] =	stream.linear.gather [hbm4b:s18+s5], $0x7D0, $0x38;
	[tilespmem:$0x1FBD0] =	vst v63  }
0x52: {  	_ =	swait.ge [sflag:s24], $0x7D0  }
0x53: {  	[sflag:s24] =	ssyncset.done $0x0  }
0x54: {  	s22 =	simm.s32 $0x1F40;
	[sflag:s24] =	ssyncadd.s32 $0xFFFFF830  }
0x55: {  	[tilespmem:s22], [sflag:$0x1] =	stream.indirect.gather [hbm4b:s1+s28], $0x80, s5, s28, $0xb8;
	[tilespmem:$0x1FBD0] =	vst v63  }
0x56: {  	s23 =	simm.s32 $0x4740;
	s12 =	simm.s32 $0x0  }
0x57: {  	[tilespmem:s23], [sflag:$0x1] =	stream.indirect.gather [hbm4b:s1+s28], $0x80, s28, s28, $0xb8;
	[tilespmem:$0x1FBD0] =	vst v63  }
0x58: {  	s22 =	smov.u32 s11;
	s23 =	smov.u32 s10;
	[bflag:$0x0] =	sbarrier.arrive $0xFFFF  }
.LBB2_2:
0x59: {  	s13 =	smul.u32 $0x29, s12  }
0x5a: {  	s14 =	smul.u32 $0xAB, s12  }
0x5b: {  	s15 =	sshrl.u32 s13, $0xA  }
0x5c: {  	s14 =	sshrl.u32 s14, $0x9;
	s13 =	sand.u32 $0x3F, s15  }
0x5d: {  	s14 =	sand.u32 $0x7F, s14;
	s13 =	smul.u32 $0x19, s13  }
0x5e: {  	s16 =	smul.u32 $0x3, s14  }
0x5f: {  	s14 =	sand.u32 $0x1, s15;
	s13 =	ssub.s32 s12, s13  }
0x60: {  	s17 =	smul.u32 $0x1F40, s14;
	s16 =	ssub.s32 s12, s16;
	s15 =	sand.u32 $0xFF, s13  }
0x61: {  	s16 =	sand.u32 $0xFF, s16;
	s15 =	smul.u32 $0x140, s15  }
0x62: {  	_ =	swait.ge [sflag:s31], $0x2800;
	s16 =	smul.u32 $0xA000, s16  }
0x63: {  	p2 =	sgt.u32 s12, $0x63;
	s17 =	sshrl.u32 s17, $0x2;
	s15 =	sshrl.u32 s15, $0x2  }
0x64: {  	[sflag:s31] =	ssyncset.done $0x0;
	s16 =	sshrl.u32 s16, $0x2;
	s15 =	sadd.s32 s15, s17  }
0x65: {  	[sflag:s31] =	ssyncadd.s32 $0xFFFFD800;
	s16 =	sadd.s32 $0x1F40, s16;
	s15 =	sadd.s32 $0xFA0, s15  }
0x66: {  	[spmem:s3] =	stream.indirect.scatter.add.f32 [tilespmem:s16], [sflag:$0x2], $0x80, s15, s28, $0xb8;
	[tilespmem:$0x1FBD0] =	vst v63  }
0x67: {  	p1 =	seq.s32 s12, $0x0;
	s16 =	sand.u32 @!p2 $0xFF, s13  }
0x68: {  	[spmem:s4] =	stream.indirect.scatter.add.f32 [tilespmem:s25], [sflag:$0x4], $0x10, s15, s28, $0xb8;
	[tilespmem:$0x1FBD0] =	vst v63  }
0x69: {  	p3 =	sne.s32 @!p2 s16, $0x0;
	s15 =	simm.s32 @!p1 $0x2  }
0x6a: {  	p2 =	por p2, p3;
	_ =	swait.ge @!p1 [sflag:s15], $0x2800  }
.Ltmp2:
0x6b: {  	[sflag:s15] =	ssyncset.done @!p1 $0x0;
	(pc) =	sbr.rel @p2 .LBB2_4-.Ltmp2, $4  }
0x6c: {  	[sflag:s15] =	ssyncadd.s32 @!p1 $0xFFFFD800;
	s15 =	simm.s32 @!p1 $0x4  }
0x6d: {  	_ =	swait.ge @!p1 [sflag:s15], $0x500  }
0x6e: {  	[sflag:s15] =	ssyncset.done @!p1 $0x0  }
0x6f: {  	[sflag:s15] =	ssyncadd.s32 @!p1 $0xFFFFFB00  }
0x70: {  	s13 =	sxor.u32 $0x1, s14  }
0x71: {  	s13 =	smul.u32 $0x7D0, s13  }
.Ltmp3:
0x72: {  	_ = 	snop;
	(pc) =	sbr.rel .LBB2_7-.Ltmp3, $4  }
0x73: {  	_ = 	snop  }
0x74: {  	[tilespmem:s13], [sflag:$0x3] =	stream.linear.gather [hbm4b:s23+s5], $0x7D0, $0x38;
	[tilespmem:$0x1FBD0] =	vst v63  }
0x75: {  	s13 =	sadd.s32 $0xFA0, s13  }
0x76: {  	[tilespmem:s13], [sflag:$0x3] =	stream.linear.gather [hbm4b:s22+s5], $0x7D0, $0x38;
	[tilespmem:$0x1FBD0] =	vst v63  }
.LBB2_4:
0x77: {  	p1 =	sgt.u32 s12, $0x7A  }
0x78: {  	s13 =	sand.u32 @!p1 $0xFF, s13  }
0x79: {  	p2 =	sne.s32 @!p1 s13, $0x17  }
0x7a: {  	p2 =	por p1, p2  }
.Ltmp4:
0x7b: {  	_ = 	snop;
	(pc) =	sbr.rel @p2 .LBB2_6-.Ltmp4, $1  }
0x7c: {  	_ =	sdelay $0x3  }
0x7d: {  	_ =	swait.ge [sflag:s26], $0x7D0  }
0x7e: {  	[sflag:s26] =	ssyncset.done $0x0  }
0x7f: {  	[sflag:s26] =	ssyncadd.s32 $0xFFFFF830  }
0x80: {  	_ =	swait.ge [sflag:s26], $0x7D0  }
0x81: {  	[sflag:s26] =	ssyncset.done $0x0  }
0x82: {  	[sflag:s26] =	ssyncadd.s32 $0xFFFFF830  }
.LBB2_7:
0x83: {  	s13 =	sadd.s32 $0x2, s12  }
0x84: {  	s14 =	sand.u32 $0xFF, s13  }
0x85: {  	s15 =	smul.u32 $0xAB, s14  }
0x86: {  	s14 =	smul.u32 $0x29, s14  }
0x87: {  	s15 =	sshrl.u32 s15, $0x9  }
0x88: {  	s14 =	sshrl.u32 s14, $0xA;
	s15 =	smul.u32 $0x3, s15  }
0x89: {  	s16 =	smul.u32 $0x19, s14  }
0x8a: {  	s15 =	ssub.s32 s13, s15  }
0x8b: {  	s13 =	ssub.s32 s13, s16;
	s15 =	sand.u32 $0xFF, s15  }
0x8c: {  	s13 =	sand.u32 $0xFF, s13;
	s15 =	smul.u32 $0xA000, s15  }
0x8d: {  	s14 =	sand.u32 $0x1, s14;
	s13 =	smul.u32 $0x140, s13  }
0x8e: {  	p1 =	seq.s32 s14, $0x1;
	s14 =	simm.s32 $0x7D0  }
0x8f: {  	s14 =	simm.s32 @!p1 $0x0;
	s15 =	sshrl.u32 s15, $0x2;
	s13 =	sshrl.u32 s13, $0x2  }
0x90: {  	s15 =	sadd.s32 $0x1F40, s15;
	s13 =	sadd.s32 s13, s14  }
0x91: {  	[tilespmem:s15], [sflag:$0x1] =	stream.indirect.gather [hbm4b:s1+s28], $0x80, s13, s28, $0xb8;
	[tilespmem:$0x1FBD0] =	vst v63  }
.LBB2_8:
0x92: {  	s12 =	sadd.s32 $0x1, s12  }
0x93: {  	p1 =	sne.s32 s12, $0x7D  }
.Ltmp5:
0x94: {  	_ = 	snop;
	(pc) =	sbr.rel @p1 .LBB2_2-.Ltmp5, $4  }
.Ltmp6:
0x95: {  	_ = 	snop;
	(pc) =	sbr.rel @!p1 .LBB2_9-.Ltmp6, $4  }
0x96: {  	_ = 	snop  }
0x97: {  	_ = 	snop  }
0x98: {  	s22 =	sadd.s32 $0xA, s22;
	s23 =	sadd.s32 $0xA, s23  }
0x99: {  	_ = 	snop  }
.LBB2_6:
.Ltmp7:
0x9a: {  	(pc) =	sbr.rel @p1 .LBB2_8-.Ltmp7, $4  }
.Ltmp8:
0x9b: {  	(pc) =	sbr.rel @!p1 .LBB2_7-.Ltmp8, $4  }
0x9c: {  	_ = 	snop  }
0x9d: {  	_ = 	snop  }
0x9e: {  	_ = 	snop  }
0x9f: {  	_ = 	snop  }
.LBB2_10:
0xa0: {  	_ =	sfence.sel $0x180000  }
0xa1: {  	[bflag:$0x0] =	sbarrier.arrive $0xFFFF  }
0xa2: {  	_ =	strace $0x90000047  }
0xa3: {  	[bflag:$0x2] =	sbarrier.arrive $0xFFFF  }
0xa4: {  	s0 =	rddreg [dreg:$0x5]  }
0xa5: {  	s0 =	sadd.s32 @!p0 $0x100000, s0  }
0xa6: {  	[sflag:s0] =	ssyncadd.tile.s32 @!p0 $0x1;
	_ =	shalt  }
.Lfunc_end2:
_tile_overlayer_lowered:
.L_overlay_start_2:
0xa7: {  	(tag) =	ssettag $0x2  }
0xa8: {  	s0 =	rddreg [dreg:$0x0];
	s2 =	stileid.u32  }
0xa9: {  	s1 =	rddreg [dreg:$0x1];
	p0 =	sne.s32 s2, $0x0  }
0xaa: {  	s3 =	rddreg [dreg:$0x2];
	[bflag:$0x3] =	sbarrier.arrive $0xFFFF;
	s2 =	simm.s32 @!p0 $0x1C05  }
0xab: {  	[timem:s3], [sflag:s2] =	dma.local @!p0 [hbm:s0], s1  }
0xac: {  	s0 =	simm.s32 @!p0 $0x5  }
0xad: {  	_ =	swait.ge @!p0 [sflag:s0], s1  }
0xae: {  	s1 =	ssub.s32 @!p0 $0x0, s1;
	[sflag:s0] =	ssyncset.done @!p0 $0x0  }
0xaf: {  	[sflag:s0] =	ssyncadd.s32 @!p0 s1  }
0xb0: {  	[bflag:$0x3] =	sbarrier.arrive $0xFFFF  }
0xb1: {  	_ =	shalt  }

// kernel: kernel.9.cloned.1.call-start
scs
__scs_entry_jumppad:
0x0: {  	(pc) =	sbr.rel $0x88, $3  }
0x1: {  	(tag) =	ssettag $0x0;
	lr =	simm.s32 $0x1  }
0x2: {  	[smem:$0x3F93] =	sst lr;
	_ =	strace $0xD0000000  }
0x3: {  	_ = 	snop  }
0x4: {  	_ = 	snop  }
0x5: {  	_ = 	snop  }
0x6: {  	_ = 	snop  }
0x7: {  	_ = 	snop  }
__scs_overlays_trampoline_lowered:
0x8: {  	[smem:$0x3FA2] =	sst s0  }
0x9: {  	[smem:$0x3FA3] =	sst s1  }
0xa: {  	[smem:$0x3FA4] =	sst s2  }
0xb: {  	[smem:$0x3FA5] =	sst s3  }
0xc: {  	[smem:$0x3FA6] =	sst s4  }
0xd: {  	[smem:$0x3FA7] =	sst s5  }
0xe: {  	[smem:$0x3FA8] =	sst s6  }
0xf: {  	[smem:$0x3FA9] =	sst s7  }
0x10: {  	[smem:$0x3FAA] =	sst s8  }
0x11: {  	[smem:$0x3FAB] =	sst s9;
	s0 =	simm.s32 @!p0 $0x0  }
0x12: {  	s1 =	sld [smem:$0x3F91];
	s0 =	simm.s32 @p0 $0x1  }
0x13: {  	[smem:$0x3FAC] =	sst s0;
	s0 =	simm.s32 @!p1 $0x0  }
0x14: {  	s2 =	sld [smem:$0x3F90];
	s0 =	simm.s32 @p1 $0x1  }
0x15: {  	[smem:$0x3FAD] =	sst s0;
	s0 =	simm.s32 @!p2 $0x0  }
0x16: {  	s3 =	sld [smem:$0x3FDB];
	s0 =	simm.s32 @p2 $0x1  }
0x17: {  	s4 =	simm.s32 $0x1BF5;
	[smem:$0x3FAF] =	sst s0  }
0x18: {  	s0 =	sld [smem:$0x3F92];
	_ =	swait.ge [sflag:s4], $0x0  }
0x19: {  	s7 =	sld [smem:$0x3F93]  }
0x1a: {  	s8 =	sadd.s32 $0xFFFFE003, lr  }
0x1b: {  	s9 =	sadd.s32 $0xFFFFFEF7, lr;
	s5 =	simm.s32 $0xFFFFFFFF;
	p2 =	slt.u32 s8, $0xFFFFF086  }
0x1c: {  	p1 =	slt.u32 s9, $0xF7A;
	s5 =	simm.s32 @!p2 $0x0  }
0x1d: {  	s5 =	simm.s32 @p1 $0x1;
	p0 =	seq.s32 s7, s2  }
0x1e: {  	s7 =	smul.u32 @!p0 $0xF7A, s2;
	p2 =	seq.s32 @!p0 s5, $0x0  }
0x1f: {  	s9 =	smul.u32 $0xF7A, s1;
	s8 =	simm.s32 @!p0 $0x1BF5;
	p2 =	por !p2, p0  }
0x20: {  	[sflag:s8] =	ssyncset.s32 @!p0 $0xFFFFF086;
	s6 =	sadd.s32 @!p0 s3, s7;
	s7 =	simm.s32 @!p0 $0x108  }
0x21: {  	s3 =	sadd.s32 s3, s9;
	s6 =	sadd.s32 @!p0 $0x88, s6;
	s7 =	simm.s32 @p2 $0x1082  }
0x22: {  	[simem:s7], [sflag:s8] =	dma.local @!p0 [hbm:s6], $0xF7A  }
0x23: {  	s9 =	sor.u32 $0xD0000000, s2;
	s6 =	simm.s32 $0x108;
	_ =	swait.ge @!p0 [sflag:s8], $0x0  }
0x24: {  	s3 =	sadd.s32 $0x88, s3;
	s6 =	simm.s32 @!p1 $0x1082;
	[sflag:s4] =	ssyncset.s32 $0xFFFFF086  }
0x25: {  	[simem:s6], [sflag:s4] =	dma.local [hbm:s3], $0xF7A  }
0x26: {  	[smem:$0x3F93] =	sst s1;
	(tag) =	ssettag s2;
	_ =	strace s9  }
0x27: {  	s1 =	sld [smem:$0x3FA3]  }
0x28: {  	s2 =	sld [smem:$0x3FA4]  }
0x29: {  	s4 =	sld [smem:$0x3FA6]  }
0x2a: {  	p0 =	seq.s32 s5, $0x0;
	s5 =	sld [smem:$0x3FA7]  }
0x2b: {  	s6 =	sld [smem:$0x3FA8]  }
0x2c: {  	s7 =	sld [smem:$0x3FA9]  }
0x2d: {  	s3 =	simm.s32 $0x108;
	s8 =	sld [smem:$0x3FAA]  }
0x2e: {  	s3 =	simm.s32 @!p0 $0x1082;
	s9 =	sld [smem:$0x3FAB]  }
0x2f: {  	lr =	sadd.s32 s0, s3;
	s0 =	sld [smem:$0x3FA2]  }
0x30: {  	s3 =	sld [smem:$0x3FA5]  }
0x31: {  	[smem:$0x3FAE] =	sst s10  }
0x32: {  	s10 =	sld [smem:$0x3FAC];
	_ =	sdelay $0x3  }
0x33: {  	p0 =	seq.s32 s10, $0x1;
	s10 =	sld [smem:$0x3FAE];
	_ =	sdelay $0x3  }
0x34: {  	[smem:$0x3FAE] =	sst s10  }
0x35: {  	s10 =	sld [smem:$0x3FAD];
	_ =	sdelay $0x3  }
0x36: {  	p1 =	seq.s32 s10, $0x1;
	s10 =	sld [smem:$0x3FAE];
	_ =	sdelay $0x3  }
0x37: {  	[smem:$0x3FAE] =	sst s10  }
0x38: {  	s10 =	sld [smem:$0x3FAF]  }
0x39: {  	_ = 	snop;
	(pc) =	sbr.ind lr, $3  }
0x3a: {  	_ = 	snop  }
0x3b: {  	_ = 	snop  }
0x3c: {  	p2 =	seq.s32 s10, $0x1;
	s10 =	sld [smem:$0x3FAE]  }
0x3d: {  	_ =	shalt  }
0x3e: {  	_ =	shalt  }
0x3f: {  	_ =	shalt  }
0x40: {  	_ =	shalt  }
0x41: {  	_ =	shalt  }
0x42: {  	_ =	shalt  }
0x43: {  	_ =	shalt  }
0x44: {  	_ =	shalt  }
0x45: {  	_ =	shalt  }
0x46: {  	_ =	shalt  }
0x47: {  	_ =	shalt  }
0x48: {  	_ =	shalt  }
0x49: {  	_ =	shalt  }
0x4a: {  	_ =	shalt  }
0x4b: {  	_ =	shalt  }
0x4c: {  	_ =	shalt  }
0x4d: {  	_ =	shalt  }
0x4e: {  	_ =	shalt  }
0x4f: {  	_ =	shalt  }
0x50: {  	_ =	shalt  }
0x51: {  	_ =	shalt  }
0x52: {  	_ =	shalt  }
0x53: {  	_ =	shalt  }
0x54: {  	_ =	shalt  }
0x55: {  	_ =	shalt  }
0x56: {  	_ =	shalt  }
0x57: {  	_ =	shalt  }
0x58: {  	_ =	shalt  }
0x59: {  	_ =	shalt  }
0x5a: {  	_ =	shalt  }
0x5b: {  	_ =	shalt  }
0x5c: {  	_ =	shalt  }
0x5d: {  	_ =	shalt  }
0x5e: {  	_ =	shalt  }
0x5f: {  	_ =	shalt  }
0x60: {  	_ =	shalt  }
0x61: {  	_ =	shalt  }
0x62: {  	_ =	shalt  }
0x63: {  	_ =	shalt  }
0x64: {  	_ =	shalt  }
0x65: {  	_ =	shalt  }
0x66: {  	_ =	shalt  }
0x67: {  	_ =	shalt  }
0x68: {  	_ =	shalt  }
0x69: {  	_ =	shalt  }
0x6a: {  	_ =	shalt  }
0x6b: {  	_ =	shalt  }
0x6c: {  	_ =	shalt  }
0x6d: {  	_ =	shalt  }
0x6e: {  	_ =	shalt  }
0x6f: {  	_ =	shalt  }
0x70: {  	_ =	shalt  }
0x71: {  	_ =	shalt  }
0x72: {  	_ =	shalt  }
0x73: {  	_ =	shalt  }
0x74: {  	_ =	shalt  }
0x75: {  	_ =	shalt  }
0x76: {  	_ =	shalt  }
0x77: {  	_ =	shalt  }
0x78: {  	_ =	shalt  }
0x79: {  	_ =	shalt  }
0x7a: {  	_ =	shalt  }
0x7b: {  	_ =	shalt  }
0x7c: {  	_ =	shalt  }
0x7d: {  	_ =	shalt  }
0x7e: {  	_ =	shalt  }
0x7f: {  	_ =	shalt  }
0x80: {  	_ =	shalt  }
0x81: {  	_ =	shalt  }
0x82: {  	_ =	shalt  }
0x83: {  	_ =	shalt  }
0x84: {  	_ =	shalt  }
0x85: {  	_ =	shalt  }
0x86: {  	_ =	shalt  }
0x87: {  	_ =	shalt  }
.Lfunc_end0:
.L_simem_size_0:
called_computation.1_lowered:
.L_overlay_start_0:
0x88: {  	s2 =	sld [smem:$0x3FD9]  }
0x89: {  	s3 =	sld [smem:$0x3FFE];
	_ =	sdelay $0x1  }
0x8a: {  	s1 =	srdreg.scid  }
0x8b: {  	s0 =	sand.u32 $0x1, s1  }
0x8c: {  	s16 =	sshll.u32 s0, $0xA;
	s2 =	sadd.s32 s3, s2  }
0x8d: {  	s2 =	sadd.s32 s2, s16  }
0x8e: {  	[smem:$0x3FBA] =	sst s2  }
0x8f: {  	_ = 	snop  }
0x90: {  	(tm) =	ssettm $0x1  }
0x91: {  	s17 =	sld [smem:$0x3FFB];
	_ =	sdelay $0x3  }
0x92: {  	_ =	strace s17  }
0x93: {  	s2 =	sld [smem:$0x3FFC];
	_ =	sdelay $0x3  }
0x94: {  	_ =	strace s2  }
0x95: {  	s2 =	sld [smem:$0x3FFD];
	_ =	sdelay $0x3  }
0x96: {  	_ =	strace s2  }
0x97: {  	_ =	strace $0x8FFFFFFF  }
0x98: {  	s18 =	sld [smem:$0x3FDB];
	_ =	sdelay $0x1  }
0x99: {  	s19 =	simm.s32 $_scs_section_size  }
0x9a: {  	s4 =	simm.s32 $_size__tile_overlayer_lowered;
	s5 =	simm.s32 $_tile_overlayer_lowered  }
0x9b: {  	s22 =	simm.s32 $0x1BFF;
	s21 =	sshll.u32 s5, $0x1;
	s2 =	sadd.s32 s19, s18  }
0x9c: {  	s6 =	simm.s32 $0x0;
	s20 =	sshll.u32 s4, $0x1;
	s4 =	sadd.s32 s21, s2  }
0x9d: {  	[timem:s6], [sflag:s22] =	dma.local [hbm:s4], s20  }
0x9e: {  	_ =	swait.ge [sflag:s22], s20  }
0x9f: {  	s3 =	ssub.s32 $0x0, s20;
	[sflag:s22] =	ssyncset.done $0x0  }
0xa0: {  	[sflag:s22] =	ssyncadd.s32 s3;
	_ =	sdelay $0x1  }
0xa1: {  	s23 =	simm.s32 $0x1B8B  }
0xa2: {  	_ =	swait.ge [sflag:s23], $0x1  }
0xa3: {  	[sflag:s23] =	ssyncset.done $0x0  }
0xa4: {  	s25 =	simm.s32 $0x1B8E;
	s24 =	sld [smem:$0x3FFE];
	[sflag:s23] =	ssyncadd.s32 $0xFFFFFFFF  }
0xa5: {  	s26 =	simm.s32 $execute0_lowered;
	[smem:$0x3FD2] =	sst s25  }
0xa6: {  	s4 =	sshll.u32 s26, $0x1;
	_ =	strace $0x80000049;
	[dreg:$0x1] =	wrdreg $0xFFFFFFFF  }
0xa7: {  	s28 =	simm.s32 $_size_execute0_lowered;
	s2 =	sadd.s32 s2, s4;
	[dreg:$0x0] =	wrdreg $0x0  }
0xa8: {  	s4 =	sshll.u32 s28, $0x1;
	[dreg:$0x2] =	wrdreg s2  }
0xa9: {  	[dreg:$0x3] =	wrdreg s4  }
0xaa: {  	[dreg:$0x4] =	wrdreg $0xC0  }
0xab: {  	_ =	task [dreg:s6], $0x5FFFF  }
0xac: {  	[dreg:$0x1] =	wrdreg $0xFFFFFFFF  }
0xad: {  	[dreg:$0x0] =	wrdreg $0x60  }
0xae: {  	[dreg:$0x2] =	wrdreg s24  }
0xaf: {  	[dreg:$0x3] =	wrdreg $0x97400  }
0xb0: {  	[dreg:$0x4] =	wrdreg $0x9  }
0xb1: {  	_ =	task.clear_ibuf [dreg:s6], $0x5FFFF;
	_ =	strace $0x90000049  }
0xb2: {  	s29 =	simm.s32 $0x9;
	_ =	strace $0x8000004B  }
0xb3: {  	_ =	swait.ge [sflag:s29], $0x1  }
0xb4: {  	[sflag:s29] =	ssyncadd.s32 $0xFFFFFFFF  }
0xb5: {  	_ =	strace $0x9000004B  }
0xb6: {  	_ =	sfence  }
0xb7: {  	s30 =	sld [smem:$0x0];
	_ =	sdelay $0x2  }
0xb8: {  	s31 =	sshll.u32 s1, $0xD;
	s1 =	sshrl.u32 s1, $0x2  }
0xb9: {  	s3 =	sand.u32 $0x4000, s31;
	s1 =	sadd.s32 s1, s30  }
0xba: {  	s0 =	sor.u32 s3, s0;
	s1 =	sshll.u32 s1, $0x11  }
0xbb: {  	s0 =	sor.u32 s1, s0  }
0xbc: {  	s0 =	sadd.s32 $0x8F2B, s0  }
0xbd: {  	[sflag:s0] =	ssyncadd.remote.s32 $0x1  }
0xbe: {  	_ =	sfence.sel $0xFFFF  }
0xbf: {  	[dreg:$0x0] =	wrdreg $0xFFFFFFFF;
	(pc) =	sbr.abs _section_cstart, $3  }
0xc0: {  	[dreg:$0x1] =	wrdreg $0xFFFFFFFF  }
0xc1: {  	_ =	task.clear_ibuf [dreg:s6], $0x2FFFF;
	_ =	strace $0x9FFFFFFF  }
0xc2: {  	(tm) =	ssettm $0x7FFFFFFF  }
0xc3: {  	_ =	shalt  }
tec
execute0_lowered:
.L_overlay_start_1:
0x0: {  	(tag) =	ssettag $0x1  }
0x1: {  	s6 =	rddreg [dreg:$0x0]  }
0x2: {  	s1 =	rddreg [dreg:$0x1];
	s2 =	simm.s32 $0x0  }
0x3: {  	s14 =	stileid.u32;
	s4 =	srdreg.scid;
	s20 =	simm.s32 $0x4740  }
0x4: {  	s21 =	simm.s32 $0x1;
	s22 =	simm.s32 $0x2;
	s23 =	simm.s32 $0x3  }
0x5: {  	s24 =	simm.s32 $0x0;
	[smem:$0x7FF] =	sst s2;
	s3 =	sadd.s32 $0x42800, s6  }
0x6: {  	s9 =	smul.u32 $0x13800, s14;
	s13 =	sadd.s32 $0xC800, s6;
	s12 =	sadd.s32 $0x2A00, s6  }
0x7: {  	s7 =	sand.u32 $0x1, s4;
	s11 =	sadd.s32 $0x69A00, s6;
	s30 =	sshll.u32 s14, $0x6  }
0x8: {  	s18 =	sadd.s32 $0x138000, s1;
	s19 =	smul.u32 $0x2710, s14;
	p0 =	sne.s32 s14, $0x0  }
0x9: {  	_ =	strace $0x8000004A;
	s5 =	ssub.s32 $0x2, s7;
	s31 =	smul.u32 $0x138800, s7  }
0xa: {  	s8 =	sshll.u32 s7, $0x4;
	s17 =	smul.u32 $0x27100, s7;
	s29 =	sshrl.u32 s9, $0x3  }
0xb: {  	s10 =	sshrl.u32 s5, $0x1;
	s8 =	sor.u32 s14, s8;
	s16 =	sadd.s32 s9, s1  }
0xc: {  	s4 =	sadd.s32 s29, s6;
	s15 =	ssub.s32 s5, s10;
	s8 =	smul.u32 $0x2710, s8  }
0xd: {  	s5 =	sor.u32 $0x1C04, s30;
	s6 =	sadd.s32 $0x42600, s6;
	s9 =	sadd.s32 s9, s31  }
0xe: {  	s10 =	sshrl.u32 s31, $0x3;
	s17 =	sadd.s32 s19, s17;
	s14 =	sshrl.u32 s16, $0x3  }
0xf: {  	s16 =	sshrl.u32 @!p0 s18, $0x3;
	s18 =	simm.s32 $0x50;
	s19 =	simm.s32 $0x1F40  }
.Ltmp0:
0x10: {  	s4 =	sadd.s32 $0x1B600, s4;
	s9 =	sshrl.u32 s9, $0x3;
	(pc) =	sbr.rel .LBB2_1-.Ltmp0, $4  }
0x11: {  	s10 =	sadd.s32 s11, s10;
	s17 =	sadd.s32 $0x7D0, s17;
	s8 =	sshrl.u32 s8, $0x3  }
0x12: {  	s9 =	sadd.s32 s11, s9;
	s10 =	sadd.s32 $0x27000, s10;
	s17 =	sshrl.u32 s17, $0x3  }
0x13: {  	s11 =	smax.u32 s15, $0x1;
	s15 =	simm.s32 $0x4;
	s7 =	sadd.s32 s13, s8  }
0x14: {  	s8 =	sadd.s32 s12, s8;
	s12 =	sadd.s32 s17, s12;
	s13 =	sadd.s32 s17, s13  }
.LBB2_9:
0x15: {  	_ =	swait.ge [sflag:s22], $0x2800  }
0x16: {  	[sflag:s22] =	ssyncset.done $0x0  }
0x17: {  	[sflag:s22] =	ssyncadd.s32 $0xFFFFD800  }
0x18: {  	[bflag:$0x0] =	sbarrier.arrive $0xFFFF  }
0x19: {  	[hbm:s9], [sflag:s5] =	dma.local [spmem:s14], $0x2700  }
0x1a: {  	s24 =	sadd.s32 $0x1, s24;
	_ =	swait.ge [sflag:s15], $0x2700  }
0x1b: {  	p1 =	sne.s32 s24, s11;
	[sflag:s15] =	ssyncset.done $0x0  }
.Ltmp1:
0x1c: {  	s0 =	simm.s32 @!p0 $0x4;
	[sflag:s15] =	ssyncadd.s32 $0xFFFFD900;
	(pc) =	sbr.rel @!p1 .LBB2_10-.Ltmp1, $4  }
0x1d: {  	[hbm:s10], [sflag:s5] =	dma.local @!p0 [spmem:s16], $0x100  }
0x1e: {  	_ =	swait.ge @!p0 [sflag:s0], $0x100  }
0x1f: {  	[sflag:s0] =	ssyncset.done @!p0 $0x0  }
0x20: {  	[sflag:s0] =	ssyncadd.s32 @!p0 $0xFFFFFF00  }
.LBB2_1:
0x21: {  	[spmem:s14], [sflag:s5] =	dma.local [hbm:s4], $0x2700  }
0x22: {  	_ =	swait.ge [sflag:s15], $0x2700  }
0x23: {  	[sflag:s15] =	ssyncset.done $0x0  }
0x24: {  	s25 =	simm.s32 @!p0 $0x4;
	[sflag:s15] =	ssyncadd.s32 $0xFFFFD900  }
0x25: {  	[spmem:s16], [sflag:s5] =	dma.local @!p0 [hbm:s6], $0x100  }
0x26: {  	_ =	swait.ge @!p0 [sflag:s25], $0x100  }
0x27: {  	[sflag:s25] =	ssyncset.done @!p0 $0x0  }
0x28: {  	[sflag:s25] =	ssyncadd.s32 @!p0 $0xFFFFFF00  }
0x29: {  	[tilespmem:s2], [sflag:$0x4] =	stream.linear.gather [hbm4b:s7+s2], $0x7D0, $0x38;
	[tilespmem:$0x1CFC0] =	vst v63  }
0x2a: {  	_ =	swait.ge [sflag:s15], $0x7D0  }
0x2b: {  	[sflag:s15] =	ssyncset.done $0x0  }
0x2c: {  	s0 =	simm.s32 $0xFA0;
	[sflag:s15] =	ssyncadd.s32 $0xFFFFF830  }
0x2d: {  	[tilespmem:s0], [sflag:$0x4] =	stream.linear.gather [hbm4b:s8+s2], $0x7D0, $0x38;
	[tilespmem:$0x1CFC0] =	vst v63  }
0x2e: {  	_ =	swait.ge [sflag:s15], $0x7D0  }
0x2f: {  	[sflag:s15] =	ssyncset.done $0x0  }
0x30: {  	[sflag:s15] =	ssyncadd.s32 $0xFFFFF830  }
0x31: {  	[tilespmem:s19], [sflag:$0x1] =	stream.indirect.gather [hbm4b:s3+s18], $0x80, s2, s18, $0xb8;
	[tilespmem:$0x1CFC0] =	vst v63  }
0x32: {  	s26 =	smov.u32 s12  }
0x33: {  	[tilespmem:s20], [sflag:$0x1] =	stream.indirect.gather [hbm4b:s3+s18], $0x80, s18, s18, $0xb8;
	[tilespmem:$0x1CFC0] =	vst v63  }
0x34: {  	s28 =	simm.s32 $0x0;
	s25 =	smov.u32 s13;
	[bflag:$0x0] =	sbarrier.arrive $0xFFFF  }
.LBB2_2:
0x35: {  	s29 =	smul.u32 $0x29, s28  }
0x36: {  	s30 =	smul.u32 $0xAB, s28  }
0x37: {  	s31 =	sshrl.u32 s29, $0xA  }
0x38: {  	s30 =	sshrl.u32 s30, $0x9;
	s29 =	sand.u32 $0x3F, s31  }
0x39: {  	s30 =	sand.u32 $0x7F, s30;
	s29 =	smul.u32 $0x19, s29  }
0x3a: {  	s0 =	smul.u32 $0x3, s30  }
0x3b: {  	s30 =	sand.u32 $0x1, s31;
	s29 =	ssub.s32 s28, s29  }
0x3c: {  	s17 =	smul.u32 $0x1F40, s30;
	s0 =	ssub.s32 s28, s0;
	s31 =	sand.u32 $0xFF, s29  }
0x3d: {  	s0 =	sand.u32 $0xFF, s0;
	s31 =	smul.u32 $0x140, s31  }
0x3e: {  	_ =	swait.ge [sflag:s21], $0x2800;
	s0 =	smul.u32 $0xA000, s0  }
0x3f: {  	p2 =	sgt.u32 s28, $0x63;
	s17 =	sshrl.u32 s17, $0x2;
	s31 =	sshrl.u32 s31, $0x2  }
0x40: {  	[sflag:s21] =	ssyncset.done $0x0;
	s0 =	sshrl.u32 s0, $0x2;
	s17 =	sadd.s32 s31, s17  }
0x41: {  	[sflag:s21] =	ssyncadd.s32 $0xFFFFD800;
	s0 =	sadd.s32 $0x1F40, s0;
	s17 =	sadd.s32 $0xFA0, s17  }
0x42: {  	[spmem:s1] =	stream.indirect.scatter.add.f32 [tilespmem:s0], [sflag:$0x2], $0x80, s17, s18, $0xb8;
	[tilespmem:$0x1CFC0] =	vst v63  }
0x43: {  	s17 =	sand.u32 @!p2 $0xFF, s29  }
0x44: {  	p3 =	sne.s32 @!p2 s17, $0x0  }
0x45: {  	p2 =	por p2, p3  }
.Ltmp2:
0x46: {  	p1 =	seq.s32 s28, $0x0;
	(pc) =	sbr.rel @p2 .LBB2_4-.Ltmp2, $4  }
0x47: {  	s0 =	simm.s32 @!p1 $0x2  }
0x48: {  	_ =	swait.ge @!p1 [sflag:s0], $0x2800  }
0x49: {  	[sflag:s0] =	ssyncset.done @!p1 $0x0  }
0x4a: {  	[sflag:s0] =	ssyncadd.s32 @!p1 $0xFFFFD800  }
0x4b: {  	s0 =	sxor.u32 $0x1, s30  }
0x4c: {  	s0 =	smul.u32 $0x7D0, s0  }
.Ltmp3:
0x4d: {  	_ = 	snop;
	(pc) =	sbr.rel .LBB2_7-.Ltmp3, $4  }
0x4e: {  	_ = 	snop  }
0x4f: {  	[tilespmem:s0], [sflag:$0x3] =	stream.linear.gather [hbm4b:s25+s2], $0x7D0, $0x38;
	[tilespmem:$0x1CFC0] =	vst v63  }
0x50: {  	s0 =	sadd.s32 $0xFA0, s0  }
0x51: {  	[tilespmem:s0], [sflag:$0x3] =	stream.linear.gather [hbm4b:s26+s2], $0x7D0, $0x38;
	[tilespmem:$0x1CFC0] =	vst v63  }
.LBB2_4:
0x52: {  	p1 =	sgt.u32 s28, $0x7A  }
0x53: {  	s0 =	sand.u32 @!p1 $0xFF, s29  }
0x54: {  	p2 =	sne.s32 @!p1 s0, $0x17  }
0x55: {  	p2 =	por p1, p2  }
.Ltmp4:
0x56: {  	_ = 	snop;
	(pc) =	sbr.rel @p2 .LBB2_6-.Ltmp4, $1  }
0x57: {  	_ =	sdelay $0x3  }
0x58: {  	_ =	swait.ge [sflag:s23], $0x7D0  }
0x59: {  	[sflag:s23] =	ssyncset.done $0x0  }
0x5a: {  	[sflag:s23] =	ssyncadd.s32 $0xFFFFF830  }
0x5b: {  	_ =	swait.ge [sflag:s23], $0x7D0  }
0x5c: {  	[sflag:s23] =	ssyncset.done $0x0  }
0x5d: {  	[sflag:s23] =	ssyncadd.s32 $0xFFFFF830  }
.LBB2_7:
0x5e: {  	s0 =	sadd.s32 $0x2, s28  }
0x5f: {  	s17 =	sand.u32 $0xFF, s0  }
0x60: {  	s29 =	smul.u32 $0xAB, s17  }
0x61: {  	s17 =	smul.u32 $0x29, s17  }
0x62: {  	s29 =	sshrl.u32 s29, $0x9  }
0x63: {  	s17 =	sshrl.u32 s17, $0xA;
	s29 =	smul.u32 $0x3, s29  }
0x64: {  	s30 =	smul.u32 $0x19, s17  }
0x65: {  	s29 =	ssub.s32 s0, s29  }
0x66: {  	s0 =	ssub.s32 s0, s30;
	s29 =	sand.u32 $0xFF, s29  }
0x67: {  	s0 =	sand.u32 $0xFF, s0;
	s29 =	smul.u32 $0xA000, s29  }
0x68: {  	s17 =	sand.u32 $0x1, s17;
	s0 =	smul.u32 $0x140, s0  }
0x69: {  	p1 =	seq.s32 s17, $0x1;
	s17 =	simm.s32 $0x7D0  }
0x6a: {  	s17 =	simm.s32 @!p1 $0x0;
	s29 =	sshrl.u32 s29, $0x2;
	s0 =	sshrl.u32 s0, $0x2  }
0x6b: {  	s29 =	sadd.s32 $0x1F40, s29;
	s0 =	sadd.s32 s0, s17  }
0x6c: {  	[tilespmem:s29], [sflag:$0x1] =	stream.indirect.gather [hbm4b:s3+s18], $0x80, s0, s18, $0xb8;
	[tilespmem:$0x1CFC0] =	vst v63  }
.LBB2_8:
0x6d: {  	s28 =	sadd.s32 $0x1, s28  }
0x6e: {  	p1 =	sne.s32 s28, $0x7D  }
.Ltmp5:
0x6f: {  	_ = 	snop;
	(pc) =	sbr.rel @p1 .LBB2_2-.Ltmp5, $4  }
.Ltmp6:
0x70: {  	_ = 	snop;
	(pc) =	sbr.rel @!p1 .LBB2_9-.Ltmp6, $4  }
0x71: {  	_ = 	snop  }
0x72: {  	_ = 	snop  }
0x73: {  	s26 =	sadd.s32 $0xA, s26;
	s25 =	sadd.s32 $0xA, s25  }
0x74: {  	_ = 	snop  }
.LBB2_6:
.Ltmp7:
0x75: {  	(pc) =	sbr.rel @p1 .LBB2_8-.Ltmp7, $4  }
.Ltmp8:
0x76: {  	(pc) =	sbr.rel @!p1 .LBB2_7-.Ltmp8, $4  }
0x77: {  	_ = 	snop  }
0x78: {  	_ = 	snop  }
0x79: {  	_ = 	snop  }
0x7a: {  	_ = 	snop  }
.LBB2_10:
0x7b: {  	_ =	sfence.sel $0x180000  }
0x7c: {  	[bflag:$0x0] =	sbarrier.arrive $0xFFFF  }
0x7d: {  	_ =	strace $0x9000004A  }
0x7e: {  	[bflag:$0x2] =	sbarrier.arrive $0xFFFF  }
0x7f: {  	s0 =	rddreg [dreg:$0x2]  }
0x80: {  	s0 =	sadd.s32 @!p0 $0x100000, s0  }
0x81: {  	[sflag:s0] =	ssyncadd.tile.s32 @!p0 $0x1;
	_ =	shalt  }
.Lfunc_end2:
_tile_overlayer_lowered:
.L_overlay_start_2:
0x82: {  	(tag) =	ssettag $0x2  }
0x83: {  	s0 =	rddreg [dreg:$0x0];
	s2 =	stileid.u32  }
0x84: {  	s1 =	rddreg [dreg:$0x1];
	p0 =	sne.s32 s2, $0x0  }
0x85: {  	s3 =	rddreg [dreg:$0x2];
	[bflag:$0x3] =	sbarrier.arrive $0xFFFF;
	s2 =	simm.s32 @!p0 $0x1C04  }
0x86: {  	[timem:s3], [sflag:s2] =	dma.local @!p0 [hbm:s0], s1  }
0x87: {  	s0 =	simm.s32 @!p0 $0x4  }
0x88: {  	_ =	swait.ge @!p0 [sflag:s0], s1  }
0x89: {  	s1 =	ssub.s32 @!p0 $0x0, s1;
	[sflag:s0] =	ssyncset.done @!p0 $0x0  }
0x8a: {  	[sflag:s0] =	ssyncadd.s32 @!p0 s1  }
0x8b: {  	[bflag:$0x3] =	sbarrier.arrive $0xFFFF  }
0x8c: {  	_ =	shalt  }

</sc_bundles>
